<compile_context>
chip_gen: v7x
topology: tpu7x:2x2x1
jax: 0.10.2.dev20260603
libtpu: 0.0.44.dev20260713+nightly
codegen_flags: <defaults>
</compile_context>

<pallas_src>
import functools

import jax
import jax.numpy as jnp
from jax import lax
from jax.experimental import pallas as pl
from jax.experimental.pallas import tpu as pltpu
from jax.experimental.pallas import tpu_sc as plsc

N_NODES = 10000
D = 128
N_EDGES = 320000

NC = 2
NS = 16
NW = NC * NS
CHUNK = 128
CHUNKS_PER_TILE = 80
EDGES_PER_TILE = CHUNK * CHUNKS_PER_TILE
E_PAD = EDGES_PER_TILE * NW
N_PAD = 10240
ROWS_PER_TILE = N_PAD // NS
NBUF = 2
DEG_CHUNK = 256
DEG_CHUNKS = EDGES_PER_TILE // DEG_CHUNK

def _vector_mesh():
    return plsc.VectorSubcoreMesh(core_axis_name="c", subcore_axis_name="s")



def _sc_degree(dst_p, ones128, zrows):

    @functools.partial(
        pl.kernel,
        out_type=jax.ShapeDtypeStruct((NC * N_PAD, D), jnp.float32),
        mesh=_vector_mesh(),
        scratch_types=(
            [pltpu.VMEM((DEG_CHUNK,), jnp.int32)] * NBUF
            + [pltpu.VMEM((DEG_CHUNK, D), jnp.float32)]
            + [pltpu.VMEM_SHARED((N_PAD, D), jnp.float32)]
            + [pltpu.SemaphoreType.DMA] * (2 * NBUF)
        ),
    )
    def deg_kernel(dst_hbm, ones_hbm, zrows_hbm, out_hbm, *bufs):
        didx = bufs[:NBUF]
        ones_v = bufs[NBUF]
        acc_sh = bufs[NBUF + 1]
        isem = bufs[NBUF + 2:NBUF + 2 + NBUF]
        ssem = bufs[NBUF + 2 + NBUF:]
        c = lax.axis_index("c")
        s = lax.axis_index("s")
        wid = c * NS + s
        row0 = s * ROWS_PER_TILE
        ebase = wid * EDGES_PER_TILE
        for b in range(NBUF):
            pltpu.async_copy(
                dst_hbm.at[pl.ds(ebase + b * DEG_CHUNK, DEG_CHUNK)],
                didx[b], isem[b])
        pltpu.sync_copy(ones_hbm, ones_v)
        pltpu.sync_copy(zrows_hbm, acc_sh.at[pl.ds(row0, ROWS_PER_TILE)])
        plsc.subcore_barrier()

        @pl.loop(0, DEG_CHUNKS // NBUF)
        def _(gidx):
            k = gidx * NBUF
            for b in range(NBUF):
                pltpu.make_async_copy(
                    dst_hbm.at[pl.ds(ebase, DEG_CHUNK)], didx[b],
                    isem[b]).wait()
                pltpu.async_copy(ones_v, acc_sh.at[didx[b]], ssem[b],
                                 add=True)
            for b in range(NBUF):
                pltpu.make_async_copy(ones_v, acc_sh.at[didx[b]],
                                      ssem[b]).wait()
                nk = jnp.minimum(k + NBUF + b, DEG_CHUNKS - 1)
                pltpu.async_copy(
                    dst_hbm.at[pl.ds(ebase + nk * DEG_CHUNK, DEG_CHUNK)],
                    didx[b], isem[b])

        for b in range(NBUF):
            pltpu.make_async_copy(
                dst_hbm.at[pl.ds(ebase, DEG_CHUNK)], didx[b], isem[b]).wait()
        plsc.subcore_barrier()
        pltpu.sync_copy(
            acc_sh.at[pl.ds(row0, ROWS_PER_TILE)],
            out_hbm.at[pl.ds(c * N_PAD + row0, ROWS_PER_TILE)])

    return deg_kernel(dst_p, ones128, zrows)


PAIR_EDGES = 2 * EDGES_PER_TILE
CHUNK_E = 256
PAIR_CHUNKS = PAIR_EDGES // CHUNK_E
CPT0 = 58
CPT1 = PAIR_CHUNKS - CPT0


def _sc_edge_pass(g, src_p, dst_p, zeros128):

    @functools.partial(
        pl.kernel,
        out_type=jax.ShapeDtypeStruct((NC * N_PAD, D), jnp.float32),
        mesh=_vector_mesh(),
        scratch_types=(
            [pltpu.VMEM((CHUNK_E,), jnp.int32)] * 2
            + [pltpu.VMEM((CHUNK_E, D), jnp.float32)]
            + [pltpu.VMEM_SHARED((N_PAD, D), jnp.float32)]
            + [pltpu.SemaphoreType.DMA]
        ),
    )
    def edge_kernel(g_hbm, src_hbm, dst_hbm, zeros_hbm, out_hbm, sidx_v,
                    didx_v, rows_v, acc_sh, gsem):
        c = lax.axis_index("c")
        s = lax.axis_index("s")
        row0 = s * ROWS_PER_TILE
        n_chunks = jnp.where(c == 0, CPT0, CPT1)
        cbase = (s * PAIR_CHUNKS + c * CPT0) * CHUNK_E
        pltpu.sync_copy(zeros_hbm, rows_v.at[pl.ds(0, CHUNK)])
        for j in range(ROWS_PER_TILE // CHUNK):
            pltpu.sync_copy(rows_v.at[pl.ds(0, CHUNK)],
                            acc_sh.at[pl.ds(row0 + j * CHUNK, CHUNK)])
        plsc.subcore_barrier()

        @pl.loop(0, n_chunks)
        def _(k):
            off = cbase + k * CHUNK_E
            pltpu.sync_copy(src_hbm.at[pl.ds(off, CHUNK_E)], sidx_v)
            pltpu.sync_copy(dst_hbm.at[pl.ds(off, CHUNK_E)], didx_v)
            pltpu.async_copy(g_hbm.at[sidx_v], rows_v, gsem).wait()
            pltpu.sync_copy(rows_v, acc_sh.at[didx_v], add=True)

        plsc.subcore_barrier()
        pltpu.sync_copy(
            acc_sh.at[pl.ds(row0, ROWS_PER_TILE)],
            out_hbm.at[pl.ds(c * N_PAD + row0, ROWS_PER_TILE)])

    return edge_kernel(g, src_p, dst_p, zeros128)



_MM_BLOCK = 1024


def _tc_matmul(x_p, W):

    def mm_kernel(x_ref, w_ref, o_ref):
        o_ref[...] = jnp.dot(x_ref[...], w_ref[...],
                             preferred_element_type=jnp.float32)

    return pl.pallas_call(
        mm_kernel,
        grid=(N_PAD // _MM_BLOCK,),
        in_specs=[
            pl.BlockSpec((_MM_BLOCK, D), lambda i: (i, 0)),
            pl.BlockSpec((D, D), lambda i: (0, 0)),
        ],
        out_specs=pl.BlockSpec((_MM_BLOCK, D), lambda i: (i, 0)),
        out_shape=jax.ShapeDtypeStruct((N_PAD, D), jnp.float32),
    )(x_p, W)


def _dinv_block(d0_ref, d1_ref):
    deg = d0_ref[:, 0:1] + d1_ref[:, 0:1] + 1.0
    return lax.rsqrt(deg)


def _tc_scale(h, dega0, dega1):

    def scale_kernel(h_ref, d0_ref, d1_ref, o_ref):
        o_ref[...] = h_ref[...] * _dinv_block(d0_ref, d1_ref)

    return pl.pallas_call(
        scale_kernel,
        grid=(N_PAD // _MM_BLOCK,),
        in_specs=[
            pl.BlockSpec((_MM_BLOCK, D), lambda i: (i, 0)),
            pl.BlockSpec((_MM_BLOCK, D), lambda i: (i, 0)),
            pl.BlockSpec((_MM_BLOCK, D), lambda i: (i, 0)),
        ],
        out_specs=pl.BlockSpec((_MM_BLOCK, D), lambda i: (i, 0)),
        out_shape=jax.ShapeDtypeStruct((N_PAD, D), jnp.float32),
    )(h, dega0, dega1)


def _tc_combine_mm(acc0, acc1, g1, dega0, dega1, b1, W2):

    def comb_kernel(a0_ref, a1_ref, g_ref, d0_ref, d1_ref, b_ref, w_ref,
                    o_ref):
        dinv = _dinv_block(d0_ref, d1_ref)
        z = dinv * (a0_ref[...] + a1_ref[...] + g_ref[...]) + b_ref[...]
        z = jnp.maximum(z, 0.0)
        h2 = jnp.dot(z, w_ref[...], preferred_element_type=jnp.float32)
        o_ref[...] = h2 * dinv

    return pl.pallas_call(
        comb_kernel,
        grid=(N_PAD // _MM_BLOCK,),
        in_specs=[
            pl.BlockSpec((_MM_BLOCK, D), lambda i: (i, 0)),
            pl.BlockSpec((_MM_BLOCK, D), lambda i: (i, 0)),
            pl.BlockSpec((_MM_BLOCK, D), lambda i: (i, 0)),
            pl.BlockSpec((_MM_BLOCK, D), lambda i: (i, 0)),
            pl.BlockSpec((_MM_BLOCK, D), lambda i: (i, 0)),
            pl.BlockSpec((1, D), lambda i: (0, 0)),
            pl.BlockSpec((D, D), lambda i: (0, 0)),
        ],
        out_specs=pl.BlockSpec((_MM_BLOCK, D), lambda i: (i, 0)),
        out_shape=jax.ShapeDtypeStruct((N_PAD, D), jnp.float32),
    )(acc0, acc1, g1, dega0, dega1, b1, W2)


_FIN_BLOCK = 2000


def _tc_final(acc0, acc1, g2, dega0, dega1, b2):

    def fin_kernel(a0_ref, a1_ref, g_ref, d0_ref, d1_ref, b_ref, o_ref):
        dinv = _dinv_block(d0_ref, d1_ref)
        z = dinv * (a0_ref[...] + a1_ref[...] + g_ref[...]) + b_ref[...]
        o_ref[...] = jnp.maximum(z, 0.0)

    return pl.pallas_call(
        fin_kernel,
        grid=(N_NODES // _FIN_BLOCK,),
        in_specs=[
            pl.BlockSpec((_FIN_BLOCK, D), lambda i: (i, 0)),
            pl.BlockSpec((_FIN_BLOCK, D), lambda i: (i, 0)),
            pl.BlockSpec((_FIN_BLOCK, D), lambda i: (i, 0)),
            pl.BlockSpec((_FIN_BLOCK, D), lambda i: (i, 0)),
            pl.BlockSpec((_FIN_BLOCK, D), lambda i: (i, 0)),
            pl.BlockSpec((1, D), lambda i: (0, 0)),
        ],
        out_specs=pl.BlockSpec((_FIN_BLOCK, D), lambda i: (i, 0)),
        out_shape=jax.ShapeDtypeStruct((N_NODES, D), jnp.float32),
    )(acc0, acc1, g2, dega0, dega1, b2)



def kernel(x, edge_index, W1, b1, W2, b2):
    src = edge_index[0].astype(jnp.int32)
    dst = edge_index[1].astype(jnp.int32)
    pad = jnp.full((E_PAD - N_EDGES,), N_NODES, dtype=jnp.int32)
    src_p = jnp.concatenate([src, pad])
    dst_p = jnp.concatenate([dst, pad])
    x_p = jnp.pad(x, ((0, N_PAD - N_NODES), (0, 0)))
    ones128 = jnp.ones((DEG_CHUNK, D), jnp.float32)
    zrows = jnp.zeros((ROWS_PER_TILE, D), jnp.float32)
    zeros128 = jnp.zeros((CHUNK, D), jnp.float32)
    b1r = b1.reshape(1, D)
    b2r = b2.reshape(1, D)

    dega = _sc_degree(dst_p, ones128, zrows)
    dega0, dega1 = dega[:N_PAD], dega[N_PAD:]
    h1 = _tc_matmul(x_p, W1)
    g1 = _tc_scale(h1, dega0, dega1)
    acc = _sc_edge_pass(g1, src_p, dst_p, zeros128)
    g2 = _tc_combine_mm(acc[:N_PAD], acc[N_PAD:], g1, dega0, dega1, b1r, W2)
    acc2 = _sc_edge_pass(g2, src_p, dst_p, zeros128)
    out = _tc_final(acc2[:N_PAD], acc2[N_PAD:], g2, dega0, dega1, b2r)
    return out

# --- scband reference (transcript-rebuilt; emitter-appended) ---
"""Pipeline reference for scband-gcn-encoder-16853451670135 (READ-ONLY COPY).

The authoritative reference and input builder live on the scoring server;
editing this copy changes nothing except your own understanding.
"""

import jax, jax.numpy as jnp
import numpy as np

N_NODES = 10000
N_EDGES = 320000
D_IN = 128
D_HID = 128
D_OUT = 128


def setup_inputs(seed: int = 0) -> dict:
    key = jax.random.key(seed)
    k1, k2, k3, k4, k5, k6 = jax.random.split(key, 6)
    x = jax.random.normal(k1, (N_NODES, D_IN), dtype=jnp.float32)
    edge_index = jax.random.randint(k2, (2, N_EDGES), 0, N_NODES, dtype=jnp.int64)
    # Glorot-style init for GCNConv weights, zeros for bias (PyG default)
    s1 = (6.0 / (D_IN + D_HID)) ** 0.5
    s2 = (6.0 / (D_HID + D_OUT)) ** 0.5
    W1 = jax.random.uniform(k3, (D_IN, D_HID), minval=-s1, maxval=s1, dtype=jnp.float32)
    b1 = jnp.zeros((D_HID,), dtype=jnp.float32)
    W2 = jax.random.uniform(k4, (D_HID, D_OUT), minval=-s2, maxval=s2, dtype=jnp.float32)
    b2 = jnp.zeros((D_OUT,), dtype=jnp.float32)
    return {"x": x, "edge_index": edge_index, "W1": W1, "b1": b1, "W2": W2, "b2": b2}


def _gcn_conv(x, W, b, edge_index, num_nodes):
    # PyG GCNConv: x' = D^{-1/2} (A + I) D^{-1/2} (x W) + b
    h = x @ W
    src = edge_index[0]
    dst = edge_index[1]
    loop = jnp.arange(num_nodes, dtype=src.dtype)
    src = jnp.concatenate([src, loop])
    dst = jnp.concatenate([dst, loop])
    ew = jnp.ones(src.shape[0], dtype=h.dtype)
    deg = jnp.zeros((num_nodes,), dtype=h.dtype).at[dst].add(ew)
    deg_inv_sqrt = jnp.where(deg > 0, deg ** -0.5, 0.0)
    norm = deg_inv_sqrt[src] * ew * deg_inv_sqrt[dst]
    msg = h[src] * norm[:, None]
    out = jnp.zeros((num_nodes, h.shape[1]), dtype=h.dtype).at[dst].add(msg)
    return out + b


def reference(x, edge_index, W1, b1, W2, b2):
    # layer 1: GCNConv -> Identity norm -> relu -> dropout(eval: identity)
    h = _gcn_conv(x, W1, b1, edge_index, N_NODES)
    h = jax.nn.relu(h)
    # layer 2 (last layer, last_activation=True): GCNConv -> Identity -> relu
    h = _gcn_conv(h, W2, b2, edge_index, N_NODES)
    h = jax.nn.relu(h)
    return h

if __name__ == "__main__":
    import jax
    _d = setup_inputs()
    print(jax.jit(kernel)(*tuple(_d.values())))

</pallas_src>

<mosaic_0001>
#map = affine_map<(d0, d1) -> (0, 0)>
#map1 = affine_map<(d0, d1) -> (0)>
module attributes {stable_mosaic.version = 14 : i64} {
  func.func @edge_kernel(%arg0: i32, %arg1: i32, %arg2: memref<10240x128xf32, #tpu.memory_space<hbm>>, %arg3: memref<327680xi32, #tpu.memory_space<hbm>>, %arg4: memref<327680xi32, #tpu.memory_space<hbm>>, %arg5: memref<128x128xf32, #tpu.memory_space<hbm>>, %arg6: memref<20480x128xf32, #tpu.memory_space<hbm>>, %arg7: memref<256xi32, #tpu.memory_space<vmem>>, %arg8: memref<256xi32, #tpu.memory_space<vmem>>, %arg9: memref<256x128xf32, #tpu.memory_space<vmem>>, %arg10: memref<10240x128xf32, #tpu.memory_space<vmem_shared>>, %arg11: memref<!tpu.dma_semaphore, #tpu.memory_space<semaphore_mem>>) attributes {dimension_semantics = [#tpu.dimension_semantics<core_parallel>, #tpu.dimension_semantics<subcore_parallel>], iteration_bounds = array<i64: 2, 16>, scalar_prefetch = 0 : i64, scratch_operands = 5 : i64, tpu.core_type = #tpu.core_type<sc_vector_subcore>, window_params = [{transform_indices = #map}, {transform_indices = #map1}, {transform_indices = #map1}, {transform_indices = #map}, {transform_indices = #map}]} {
    %mul3A = arith.constant 640 : i32
    %mul3A_0 = arith.muli %arg1, %mul3A : i32
    %eq3A = arith.constant 0 : i32
    %eq3A_1 = arith.cmpi eq, %arg0, %eq3A : i32
    %jit3A = arith.constant 58 : i32
    %jit3A_2 = arith.constant 22 : i32
    %select_n3A = arith.select %eq3A_1, %jit3A, %jit3A_2 : i32
    %mul3A_3 = arith.constant 80 : i32
    %mul3A_4 = arith.muli %arg1, %mul3A_3 : i32
    %mul3A_5 = arith.constant 58 : i32
    %mul3A_6 = arith.muli %arg0, %mul3A_5 : i32
    %add3A = arith.addi %mul3A_4, %mul3A_6 : i32
    %mul3A_7 = arith.constant 256 : i32
    %mul3A_8 = arith.muli %add3A, %mul3A_7 : i32
    "tpu.region"() ({
      %run_scoped3A = tpu.sem_alloc : memref<!tpu.dma_semaphore, #tpu.memory_space<semaphore_mem>>
      %dma_start3A = arith.constant 0 : i32
      %dma_start3A_39 = arith.constant 0 : i32
      %dma_start3A_40 = tpu.memref_slice %arg9[%dma_start3A, %dma_start3A_39] : memref<256x128xf32, #tpu.memory_space<vmem>> -> memref<128x128xf32, #tpu.memory_space<vmem>>
      %dma_start3A_41 = arith.constant 0 : i32
      %dma_start3A_42 = arith.constant 0 : i32
      %dma_start3A_43 = tpu.memref_slice %arg9[%dma_start3A_41, %dma_start3A_42] : memref<256x128xf32, #tpu.memory_space<vmem>> -> memref<128x128xf32, #tpu.memory_space<vmem>>
      tpu.enqueue_dma source(%arg5 : memref<128x128xf32, #tpu.memory_space<hbm>>) target(%dma_start3A_43 : memref<128x128xf32, #tpu.memory_space<vmem>>) target_semaphore(%run_scoped3A : memref<!tpu.dma_semaphore, #tpu.memory_space<semaphore_mem>>)
      %dma_wait3A = arith.constant 0 : i32
      %dma_wait3A_44 = arith.constant 0 : i32
      %dma_wait3A_45 = tpu.memref_slice %arg9[%dma_wait3A, %dma_wait3A_44] : memref<256x128xf32, #tpu.memory_space<vmem>> -> memref<128x128xf32, #tpu.memory_space<vmem>>
      %dma_wait3A_46 = arith.constant 0 : i32
      %dma_wait3A_47 = arith.constant 0 : i32
      %dma_wait3A_48 = tpu.memref_slice %arg9[%dma_wait3A_46, %dma_wait3A_47] : memref<256x128xf32, #tpu.memory_space<vmem>> -> memref<128x128xf32, #tpu.memory_space<vmem>>
      tpu.wait_dma2 semaphore(%run_scoped3A : memref<!tpu.dma_semaphore, #tpu.memory_space<semaphore_mem>>) src(%arg5 : memref<128x128xf32, #tpu.memory_space<hbm>>) dst(%dma_wait3A_48 : memref<128x128xf32, #tpu.memory_space<vmem>>)
      tpu.yield
    }) : () -> ()
    %add3A_9 = arith.constant 0 : i32
    %add3A_10 = arith.addi %mul3A_0, %add3A_9 : i32
    "tpu.region"() ({
      %run_scoped3A = tpu.sem_alloc : memref<!tpu.dma_semaphore, #tpu.memory_space<semaphore_mem>>
      %dma_start3A = arith.constant 0 : i32
      %dma_start3A_39 = arith.constant 0 : i32
      %dma_start3A_40 = tpu.memref_slice %arg9[%dma_start3A, %dma_start3A_39] : memref<256x128xf32, #tpu.memory_space<vmem>> -> memref<128x128xf32, #tpu.memory_space<vmem>>
      %dma_start3A_41 = arith.constant 0 : i32
      %dma_start3A_42 = tpu.memref_slice %arg10[%add3A_10, %dma_start3A_41] : memref<10240x128xf32, #tpu.memory_space<vmem_shared>> -> memref<128x128xf32, #tpu.memory_space<vmem_shared>>
      %dma_start3A_43 = arith.constant 0 : i32
      %dma_start3A_44 = tpu.memref_slice %arg10[%add3A_10, %dma_start3A_43] : memref<10240x128xf32, #tpu.memory_space<vmem_shared>> -> memref<128x128xf32, #tpu.memory_space<vmem_shared>>
      %dma_start3A_45 = arith.constant 0 : i32
      %dma_start3A_46 = arith.constant 0 : i32
      %dma_start3A_47 = tpu.memref_slice %arg9[%dma_start3A_45, %dma_start3A_46] : memref<256x128xf32, #tpu.memory_space<vmem>> -> memref<128x128xf32, #tpu.memory_space<vmem>>
      tpu.enqueue_dma source(%dma_start3A_47 : memref<128x128xf32, #tpu.memory_space<vmem>>) target(%dma_start3A_44 : memref<128x128xf32, #tpu.memory_space<vmem_shared>>) target_semaphore(%run_scoped3A : memref<!tpu.dma_semaphore, #tpu.memory_space<semaphore_mem>>)
      %dma_wait3A = arith.constant 0 : i32
      %dma_wait3A_48 = arith.constant 0 : i32
      %dma_wait3A_49 = tpu.memref_slice %arg9[%dma_wait3A, %dma_wait3A_48] : memref<256x128xf32, #tpu.memory_space<vmem>> -> memref<128x128xf32, #tpu.memory_space<vmem>>
      %dma_wait3A_50 = arith.constant 0 : i32
      %dma_wait3A_51 = tpu.memref_slice %arg10[%add3A_10, %dma_wait3A_50] : memref<10240x128xf32, #tpu.memory_space<vmem_shared>> -> memref<128x128xf32, #tpu.memory_space<vmem_shared>>
      %dma_wait3A_52 = arith.constant 0 : i32
      %dma_wait3A_53 = tpu.memref_slice %arg10[%add3A_10, %dma_wait3A_52] : memref<10240x128xf32, #tpu.memory_space<vmem_shared>> -> memref<128x128xf32, #tpu.memory_space<vmem_shared>>
      %dma_wait3A_54 = arith.constant 0 : i32
      %dma_wait3A_55 = arith.constant 0 : i32
      %dma_wait3A_56 = tpu.memref_slice %arg9[%dma_wait3A_54, %dma_wait3A_55] : memref<256x128xf32, #tpu.memory_space<vmem>> -> memref<128x128xf32, #tpu.memory_space<vmem>>
      tpu.wait_dma2 semaphore(%run_scoped3A : memref<!tpu.dma_semaphore, #tpu.memory_space<semaphore_mem>>) src(%dma_wait3A_56 : memref<128x128xf32, #tpu.memory_space<vmem>>) dst(%dma_wait3A_53 : memref<128x128xf32, #tpu.memory_space<vmem_shared>>)
      tpu.yield
    }) : () -> ()
    %add3A_11 = arith.constant 128 : i32
    %add3A_12 = arith.addi %mul3A_0, %add3A_11 : i32
    "tpu.region"() ({
      %run_scoped3A = tpu.sem_alloc : memref<!tpu.dma_semaphore, #tpu.memory_space<semaphore_mem>>
      %dma_start3A = arith.constant 0 : i32
      %dma_start3A_39 = arith.constant 0 : i32
      %dma_start3A_40 = tpu.memref_slice %arg9[%dma_start3A, %dma_start3A_39] : memref<256x128xf32, #tpu.memory_space<vmem>> -> memref<128x128xf32, #tpu.memory_space<vmem>>
      %dma_start3A_41 = arith.constant 0 : i32
      %dma_start3A_42 = tpu.memref_slice %arg10[%add3A_12, %dma_start3A_41] : memref<10240x128xf32, #tpu.memory_space<vmem_shared>> -> memref<128x128xf32, #tpu.memory_space<vmem_shared>>
      %dma_start3A_43 = arith.constant 0 : i32
      %dma_start3A_44 = tpu.memref_slice %arg10[%add3A_12, %dma_start3A_43] : memref<10240x128xf32, #tpu.memory_space<vmem_shared>> -> memref<128x128xf32, #tpu.memory_space<vmem_shared>>
      %dma_start3A_45 = arith.constant 0 : i32
      %dma_start3A_46 = arith.constant 0 : i32
      %dma_start3A_47 = tpu.memref_slice %arg9[%dma_start3A_45, %dma_start3A_46] : memref<256x128xf32, #tpu.memory_space<vmem>> -> memref<128x128xf32, #tpu.memory_space<vmem>>
      tpu.enqueue_dma source(%dma_start3A_47 : memref<128x128xf32, #tpu.memory_space<vmem>>) target(%dma_start3A_44 : memref<128x128xf32, #tpu.memory_space<vmem_shared>>) target_semaphore(%run_scoped3A : memref<!tpu.dma_semaphore, #tpu.memory_space<semaphore_mem>>)
      %dma_wait3A = arith.constant 0 : i32
      %dma_wait3A_48 = arith.constant 0 : i32
      %dma_wait3A_49 = tpu.memref_slice %arg9[%dma_wait3A, %dma_wait3A_48] : memref<256x128xf32, #tpu.memory_space<vmem>> -> memref<128x128xf32, #tpu.memory_space<vmem>>
      %dma_wait3A_50 = arith.constant 0 : i32
      %dma_wait3A_51 = tpu.memref_slice %arg10[%add3A_12, %dma_wait3A_50] : memref<10240x128xf32, #tpu.memory_space<vmem_shared>> -> memref<128x128xf32, #tpu.memory_space<vmem_shared>>
      %dma_wait3A_52 = arith.constant 0 : i32
      %dma_wait3A_53 = tpu.memref_slice %arg10[%add3A_12, %dma_wait3A_52] : memref<10240x128xf32, #tpu.memory_space<vmem_shared>> -> memref<128x128xf32, #tpu.memory_space<vmem_shared>>
      %dma_wait3A_54 = arith.constant 0 : i32
      %dma_wait3A_55 = arith.constant 0 : i32
      %dma_wait3A_56 = tpu.memref_slice %arg9[%dma_wait3A_54, %dma_wait3A_55] : memref<256x128xf32, #tpu.memory_space<vmem>> -> memref<128x128xf32, #tpu.memory_space<vmem>>
      tpu.wait_dma2 semaphore(%run_scoped3A : memref<!tpu.dma_semaphore, #tpu.memory_space<semaphore_mem>>) src(%dma_wait3A_56 : memref<128x128xf32, #tpu.memory_space<vmem>>) dst(%dma_wait3A_53 : memref<128x128xf32, #tpu.memory_space<vmem_shared>>)
      tpu.yield
    }) : () -> ()
    %add3A_13 = arith.constant 256 : i32
    %add3A_14 = arith.addi %mul3A_0, %add3A_13 : i32
    "tpu.region"() ({
      %run_scoped3A = tpu.sem_alloc : memref<!tpu.dma_semaphore, #tpu.memory_space<semaphore_mem>>
      %dma_start3A = arith.constant 0 : i32
      %dma_start3A_39 = arith.constant 0 : i32
      %dma_start3A_40 = tpu.memref_slice %arg9[%dma_start3A, %dma_start3A_39] : memref<256x128xf32, #tpu.memory_space<vmem>> -> memref<128x128xf32, #tpu.memory_space<vmem>>
      %dma_start3A_41 = arith.constant 0 : i32
      %dma_start3A_42 = tpu.memref_slice %arg10[%add3A_14, %dma_start3A_41] : memref<10240x128xf32, #tpu.memory_space<vmem_shared>> -> memref<128x128xf32, #tpu.memory_space<vmem_shared>>
      %dma_start3A_43 = arith.constant 0 : i32
      %dma_start3A_44 = tpu.memref_slice %arg10[%add3A_14, %dma_start3A_43] : memref<10240x128xf32, #tpu.memory_space<vmem_shared>> -> memref<128x128xf32, #tpu.memory_space<vmem_shared>>
      %dma_start3A_45 = arith.constant 0 : i32
      %dma_start3A_46 = arith.constant 0 : i32
      %dma_start3A_47 = tpu.memref_slice %arg9[%dma_start3A_45, %dma_start3A_46] : memref<256x128xf32, #tpu.memory_space<vmem>> -> memref<128x128xf32, #tpu.memory_space<vmem>>
      tpu.enqueue_dma source(%dma_start3A_47 : memref<128x128xf32, #tpu.memory_space<vmem>>) target(%dma_start3A_44 : memref<128x128xf32, #tpu.memory_space<vmem_shared>>) target_semaphore(%run_scoped3A : memref<!tpu.dma_semaphore, #tpu.memory_space<semaphore_mem>>)
      %dma_wait3A = arith.constant 0 : i32
      %dma_wait3A_48 = arith.constant 0 : i32
      %dma_wait3A_49 = tpu.memref_slice %arg9[%dma_wait3A, %dma_wait3A_48] : memref<256x128xf32, #tpu.memory_space<vmem>> -> memref<128x128xf32, #tpu.memory_space<vmem>>
      %dma_wait3A_50 = arith.constant 0 : i32
      %dma_wait3A_51 = tpu.memref_slice %arg10[%add3A_14, %dma_wait3A_50] : memref<10240x128xf32, #tpu.memory_space<vmem_shared>> -> memref<128x128xf32, #tpu.memory_space<vmem_shared>>
      %dma_wait3A_52 = arith.constant 0 : i32
      %dma_wait3A_53 = tpu.memref_slice %arg10[%add3A_14, %dma_wait3A_52] : memref<10240x128xf32, #tpu.memory_space<vmem_shared>> -> memref<128x128xf32, #tpu.memory_space<vmem_shared>>
      %dma_wait3A_54 = arith.constant 0 : i32
      %dma_wait3A_55 = arith.constant 0 : i32
      %dma_wait3A_56 = tpu.memref_slice %arg9[%dma_wait3A_54, %dma_wait3A_55] : memref<256x128xf32, #tpu.memory_space<vmem>> -> memref<128x128xf32, #tpu.memory_space<vmem>>
      tpu.wait_dma2 semaphore(%run_scoped3A : memref<!tpu.dma_semaphore, #tpu.memory_space<semaphore_mem>>) src(%dma_wait3A_56 : memref<128x128xf32, #tpu.memory_space<vmem>>) dst(%dma_wait3A_53 : memref<128x128xf32, #tpu.memory_space<vmem_shared>>)
      tpu.yield
    }) : () -> ()
    %add3A_15 = arith.constant 384 : i32
    %add3A_16 = arith.addi %mul3A_0, %add3A_15 : i32
    "tpu.region"() ({
      %run_scoped3A = tpu.sem_alloc : memref<!tpu.dma_semaphore, #tpu.memory_space<semaphore_mem>>
      %dma_start3A = arith.constant 0 : i32
      %dma_start3A_39 = arith.constant 0 : i32
      %dma_start3A_40 = tpu.memref_slice %arg9[%dma_start3A, %dma_start3A_39] : memref<256x128xf32, #tpu.memory_space<vmem>> -> memref<128x128xf32, #tpu.memory_space<vmem>>
      %dma_start3A_41 = arith.constant 0 : i32
      %dma_start3A_42 = tpu.memref_slice %arg10[%add3A_16, %dma_start3A_41] : memref<10240x128xf32, #tpu.memory_space<vmem_shared>> -> memref<128x128xf32, #tpu.memory_space<vmem_shared>>
      %dma_start3A_43 = arith.constant 0 : i32
      %dma_start3A_44 = tpu.memref_slice %arg10[%add3A_16, %dma_start3A_43] : memref<10240x128xf32, #tpu.memory_space<vmem_shared>> -> memref<128x128xf32, #tpu.memory_space<vmem_shared>>
      %dma_start3A_45 = arith.constant 0 : i32
      %dma_start3A_46 = arith.constant 0 : i32
      %dma_start3A_47 = tpu.memref_slice %arg9[%dma_start3A_45, %dma_start3A_46] : memref<256x128xf32, #tpu.memory_space<vmem>> -> memref<128x128xf32, #tpu.memory_space<vmem>>
      tpu.enqueue_dma source(%dma_start3A_47 : memref<128x128xf32, #tpu.memory_space<vmem>>) target(%dma_start3A_44 : memref<128x128xf32, #tpu.memory_space<vmem_shared>>) target_semaphore(%run_scoped3A : memref<!tpu.dma_semaphore, #tpu.memory_space<semaphore_mem>>)
      %dma_wait3A = arith.constant 0 : i32
      %dma_wait3A_48 = arith.constant 0 : i32
      %dma_wait3A_49 = tpu.memref_slice %arg9[%dma_wait3A, %dma_wait3A_48] : memref<256x128xf32, #tpu.memory_space<vmem>> -> memref<128x128xf32, #tpu.memory_space<vmem>>
      %dma_wait3A_50 = arith.constant 0 : i32
      %dma_wait3A_51 = tpu.memref_slice %arg10[%add3A_16, %dma_wait3A_50] : memref<10240x128xf32, #tpu.memory_space<vmem_shared>> -> memref<128x128xf32, #tpu.memory_space<vmem_shared>>
      %dma_wait3A_52 = arith.constant 0 : i32
      %dma_wait3A_53 = tpu.memref_slice %arg10[%add3A_16, %dma_wait3A_52] : memref<10240x128xf32, #tpu.memory_space<vmem_shared>> -> memref<128x128xf32, #tpu.memory_space<vmem_shared>>
      %dma_wait3A_54 = arith.constant 0 : i32
      %dma_wait3A_55 = arith.constant 0 : i32
      %dma_wait3A_56 = tpu.memref_slice %arg9[%dma_wait3A_54, %dma_wait3A_55] : memref<256x128xf32, #tpu.memory_space<vmem>> -> memref<128x128xf32, #tpu.memory_space<vmem>>
      tpu.wait_dma2 semaphore(%run_scoped3A : memref<!tpu.dma_semaphore, #tpu.memory_space<semaphore_mem>>) src(%dma_wait3A_56 : memref<128x128xf32, #tpu.memory_space<vmem>>) dst(%dma_wait3A_53 : memref<128x128xf32, #tpu.memory_space<vmem_shared>>)
      tpu.yield
    }) : () -> ()
    %add3A_17 = arith.constant 512 : i32
    %add3A_18 = arith.addi %mul3A_0, %add3A_17 : i32
    "tpu.region"() ({
      %run_scoped3A = tpu.sem_alloc : memref<!tpu.dma_semaphore, #tpu.memory_space<semaphore_mem>>
      %dma_start3A = arith.constant 0 : i32
      %dma_start3A_39 = arith.constant 0 : i32
      %dma_start3A_40 = tpu.memref_slice %arg9[%dma_start3A, %dma_start3A_39] : memref<256x128xf32, #tpu.memory_space<vmem>> -> memref<128x128xf32, #tpu.memory_space<vmem>>
      %dma_start3A_41 = arith.constant 0 : i32
      %dma_start3A_42 = tpu.memref_slice %arg10[%add3A_18, %dma_start3A_41] : memref<10240x128xf32, #tpu.memory_space<vmem_shared>> -> memref<128x128xf32, #tpu.memory_space<vmem_shared>>
      %dma_start3A_43 = arith.constant 0 : i32
      %dma_start3A_44 = tpu.memref_slice %arg10[%add3A_18, %dma_start3A_43] : memref<10240x128xf32, #tpu.memory_space<vmem_shared>> -> memref<128x128xf32, #tpu.memory_space<vmem_shared>>
      %dma_start3A_45 = arith.constant 0 : i32
      %dma_start3A_46 = arith.constant 0 : i32
      %dma_start3A_47 = tpu.memref_slice %arg9[%dma_start3A_45, %dma_start3A_46] : memref<256x128xf32, #tpu.memory_space<vmem>> -> memref<128x128xf32, #tpu.memory_space<vmem>>
      tpu.enqueue_dma source(%dma_start3A_47 : memref<128x128xf32, #tpu.memory_space<vmem>>) target(%dma_start3A_44 : memref<128x128xf32, #tpu.memory_space<vmem_shared>>) target_semaphore(%run_scoped3A : memref<!tpu.dma_semaphore, #tpu.memory_space<semaphore_mem>>)
      %dma_wait3A = arith.constant 0 : i32
      %dma_wait3A_48 = arith.constant 0 : i32
      %dma_wait3A_49 = tpu.memref_slice %arg9[%dma_wait3A, %dma_wait3A_48] : memref<256x128xf32, #tpu.memory_space<vmem>> -> memref<128x128xf32, #tpu.memory_space<vmem>>
      %dma_wait3A_50 = arith.constant 0 : i32
      %dma_wait3A_51 = tpu.memref_slice %arg10[%add3A_18, %dma_wait3A_50] : memref<10240x128xf32, #tpu.memory_space<vmem_shared>> -> memref<128x128xf32, #tpu.memory_space<vmem_shared>>
      %dma_wait3A_52 = arith.constant 0 : i32
      %dma_wait3A_53 = tpu.memref_slice %arg10[%add3A_18, %dma_wait3A_52] : memref<10240x128xf32, #tpu.memory_space<vmem_shared>> -> memref<128x128xf32, #tpu.memory_space<vmem_shared>>
      %dma_wait3A_54 = arith.constant 0 : i32
      %dma_wait3A_55 = arith.constant 0 : i32
      %dma_wait3A_56 = tpu.memref_slice %arg9[%dma_wait3A_54, %dma_wait3A_55] : memref<256x128xf32, #tpu.memory_space<vmem>> -> memref<128x128xf32, #tpu.memory_space<vmem>>
      tpu.wait_dma2 semaphore(%run_scoped3A : memref<!tpu.dma_semaphore, #tpu.memory_space<semaphore_mem>>) src(%dma_wait3A_56 : memref<128x128xf32, #tpu.memory_space<vmem>>) dst(%dma_wait3A_53 : memref<128x128xf32, #tpu.memory_space<vmem_shared>>)
      tpu.yield
    }) : () -> ()
    %barrier3A = arith.constant 0 : index
    tpu.barrier barrier_id(%barrier3A)
    %sub3A = arith.constant 0 : i32
    %sub3A_19 = arith.subi %select_n3A, %sub3A : i32
    %sub3A_20 = arith.constant 1 : i32
    %sub3A_21 = arith.constant 1 : i32
    %sub3A_22 = arith.subi %sub3A_20, %sub3A_21 : i32
    %add3A_23 = arith.addi %sub3A_19, %sub3A_22 : i32
    %div3A = arith.constant 1 : i32
    %div3A_24 = arith.divsi %add3A_23, %div3A : i32
    %while3A = arith.constant 1 : i32
    %while3A_25 = arith.constant 0 : i32
    %while3A_26 = arith.constant 0 : i32
    %while3A_27 = arith.subi %div3A_24, %while3A_26 : i32
    %while3A_28 = arith.addi %while3A_26, %while3A_27 : i32
    %while3A_29 = arith.constant 1 : i32
    %while3A_30 = arith.divsi %while3A_27, %while3A_29 : i32
    %while3A_31 = arith.muli %while3A_30, %while3A_29 : i32
    %while3A_32 = arith.addi %while3A_26, %while3A_31 : i32
    %while3A_33 = arith.constant 1 : i32
    scf.for %while3A_39 = %while3A_26 to %while3A_32 step %while3A_33  : i32 {
      %mul3A_40 = arith.muli %while3A_39, %while3A : i32
      %add3A_41 = arith.addi %while3A_25, %mul3A_40 : i32
      %mul3A_42 = arith.constant 256 : i32
      %mul3A_43 = arith.muli %add3A_41, %mul3A_42 : i32
      %add3A_44 = arith.addi %mul3A_8, %mul3A_43 : i32
      "tpu.region"() ({
        %run_scoped3A = tpu.sem_alloc : memref<!tpu.dma_semaphore, #tpu.memory_space<semaphore_mem>>
        %dma_start3A_49 = tpu.memref_slice %arg3[%add3A_44] : memref<327680xi32, #tpu.memory_space<hbm>> -> memref<256xi32, #tpu.memory_space<hbm>>
        %dma_start3A_50 = tpu.memref_slice %arg3[%add3A_44] : memref<327680xi32, #tpu.memory_space<hbm>> -> memref<256xi32, #tpu.memory_space<hbm>>
        tpu.enqueue_dma source(%dma_start3A_50 : memref<256xi32, #tpu.memory_space<hbm>>) target(%arg7 : memref<256xi32, #tpu.memory_space<vmem>>) target_semaphore(%run_scoped3A : memref<!tpu.dma_semaphore, #tpu.memory_space<semaphore_mem>>)
        %dma_wait3A_51 = tpu.memref_slice %arg3[%add3A_44] : memref<327680xi32, #tpu.memory_space<hbm>> -> memref<256xi32, #tpu.memory_space<hbm>>
        %dma_wait3A_52 = tpu.memref_slice %arg3[%add3A_44] : memref<327680xi32, #tpu.memory_space<hbm>> -> memref<256xi32, #tpu.memory_space<hbm>>
        tpu.wait_dma2 semaphore(%run_scoped3A : memref<!tpu.dma_semaphore, #tpu.memory_space<semaphore_mem>>) src(%dma_wait3A_52 : memref<256xi32, #tpu.memory_space<hbm>>) dst(%arg7 : memref<256xi32, #tpu.memory_space<vmem>>)
        tpu.yield
      }) : () -> ()
      "tpu.region"() ({
        %run_scoped3A = tpu.sem_alloc : memref<!tpu.dma_semaphore, #tpu.memory_space<semaphore_mem>>
        %dma_start3A_49 = tpu.memref_slice %arg4[%add3A_44] : memref<327680xi32, #tpu.memory_space<hbm>> -> memref<256xi32, #tpu.memory_space<hbm>>
        %dma_start3A_50 = tpu.memref_slice %arg4[%add3A_44] : memref<327680xi32, #tpu.memory_space<hbm>> -> memref<256xi32, #tpu.memory_space<hbm>>
        tpu.enqueue_dma source(%dma_start3A_50 : memref<256xi32, #tpu.memory_space<hbm>>) target(%arg8 : memref<256xi32, #tpu.memory_space<vmem>>) target_semaphore(%run_scoped3A : memref<!tpu.dma_semaphore, #tpu.memory_space<semaphore_mem>>)
        %dma_wait3A_51 = tpu.memref_slice %arg4[%add3A_44] : memref<327680xi32, #tpu.memory_space<hbm>> -> memref<256xi32, #tpu.memory_space<hbm>>
        %dma_wait3A_52 = tpu.memref_slice %arg4[%add3A_44] : memref<327680xi32, #tpu.memory_space<hbm>> -> memref<256xi32, #tpu.memory_space<hbm>>
        tpu.wait_dma2 semaphore(%run_scoped3A : memref<!tpu.dma_semaphore, #tpu.memory_space<semaphore_mem>>) src(%dma_wait3A_52 : memref<256xi32, #tpu.memory_space<hbm>>) dst(%arg8 : memref<256xi32, #tpu.memory_space<vmem>>)
        tpu.yield
      }) : () -> ()
      %dma_start3A = arith.constant 0 : i32
      %dma_start3A_45 = arith.constant 0 : i32
      %dma_start3A_46 = tpu.memref_slice %arg2[%dma_start3A, %dma_start3A_45] : memref<10240x128xf32, #tpu.memory_space<hbm>> -> memref<10240x128xf32, #tpu.memory_space<hbm>>
      tpu.enqueue_indirect_dma source(%dma_start3A_46 : memref<10240x128xf32, #tpu.memory_space<hbm>>) target(%arg9 : memref<256x128xf32, #tpu.memory_space<vmem>>) offsets(%arg7 : memref<256xi32, #tpu.memory_space<vmem>>) semaphore(%arg11 : memref<!tpu.dma_semaphore, #tpu.memory_space<semaphore_mem>>)
      %dma_wait3A = arith.constant 0 : i32
      %dma_wait3A_47 = arith.constant 0 : i32
      %dma_wait3A_48 = tpu.memref_slice %arg2[%dma_wait3A, %dma_wait3A_47] : memref<10240x128xf32, #tpu.memory_space<hbm>> -> memref<10240x128xf32, #tpu.memory_space<hbm>>
      tpu.wait_indirect_dma semaphore(%arg11 : memref<!tpu.dma_semaphore, #tpu.memory_space<semaphore_mem>>) src(%dma_wait3A_48 : memref<10240x128xf32, #tpu.memory_space<hbm>>) dst(%arg9 : memref<256x128xf32, #tpu.memory_space<vmem>>)
      "tpu.region"() ({
        %run_scoped3A = tpu.sem_alloc : memref<!tpu.dma_semaphore, #tpu.memory_space<semaphore_mem>>
        %dma_start3A_49 = arith.constant 0 : i32
        %dma_start3A_50 = arith.constant 0 : i32
        %dma_start3A_51 = tpu.memref_slice %arg10[%dma_start3A_49, %dma_start3A_50] : memref<10240x128xf32, #tpu.memory_space<vmem_shared>> -> memref<10240x128xf32, #tpu.memory_space<vmem_shared>>
        tpu.enqueue_indirect_dma source(%arg9 : memref<256x128xf32, #tpu.memory_space<vmem>>) target(%dma_start3A_51 : memref<10240x128xf32, #tpu.memory_space<vmem_shared>>) offsets(%arg8 : memref<256xi32, #tpu.memory_space<vmem>>) semaphore(%run_scoped3A : memref<!tpu.dma_semaphore, #tpu.memory_space<semaphore_mem>>) {add = true}
        %dma_wait3A_52 = arith.constant 0 : i32
        %dma_wait3A_53 = arith.constant 0 : i32
        %dma_wait3A_54 = tpu.memref_slice %arg10[%dma_wait3A_52, %dma_wait3A_53] : memref<10240x128xf32, #tpu.memory_space<vmem_shared>> -> memref<10240x128xf32, #tpu.memory_space<vmem_shared>>
        tpu.wait_indirect_dma semaphore(%run_scoped3A : memref<!tpu.dma_semaphore, #tpu.memory_space<semaphore_mem>>) src(%arg9 : memref<256x128xf32, #tpu.memory_space<vmem>>) dst(%dma_wait3A_54 : memref<10240x128xf32, #tpu.memory_space<vmem_shared>>)
        tpu.yield
      }) : () -> ()
    }
    %while3A_34 = arith.constant 1 : i32
    scf.for %while3A_39 = %while3A_32 to %while3A_28 step %while3A_34  : i32 {
      %mul3A_40 = arith.muli %while3A_39, %while3A : i32
      %add3A_41 = arith.addi %while3A_25, %mul3A_40 : i32
      %mul3A_42 = arith.constant 256 : i32
      %mul3A_43 = arith.muli %add3A_41, %mul3A_42 : i32
      %add3A_44 = arith.addi %mul3A_8, %mul3A_43 : i32
      "tpu.region"() ({
        %run_scoped3A = tpu.sem_alloc : memref<!tpu.dma_semaphore, #tpu.memory_space<semaphore_mem>>
        %dma_start3A_49 = tpu.memref_slice %arg3[%add3A_44] : memref<327680xi32, #tpu.memory_space<hbm>> -> memref<256xi32, #tpu.memory_space<hbm>>
        %dma_start3A_50 = tpu.memref_slice %arg3[%add3A_44] : memref<327680xi32, #tpu.memory_space<hbm>> -> memref<256xi32, #tpu.memory_space<hbm>>
        tpu.enqueue_dma source(%dma_start3A_50 : memref<256xi32, #tpu.memory_space<hbm>>) target(%arg7 : memref<256xi32, #tpu.memory_space<vmem>>) target_semaphore(%run_scoped3A : memref<!tpu.dma_semaphore, #tpu.memory_space<semaphore_mem>>)
        %dma_wait3A_51 = tpu.memref_slice %arg3[%add3A_44] : memref<327680xi32, #tpu.memory_space<hbm>> -> memref<256xi32, #tpu.memory_space<hbm>>
        %dma_wait3A_52 = tpu.memref_slice %arg3[%add3A_44] : memref<327680xi32, #tpu.memory_space<hbm>> -> memref<256xi32, #tpu.memory_space<hbm>>
        tpu.wait_dma2 semaphore(%run_scoped3A : memref<!tpu.dma_semaphore, #tpu.memory_space<semaphore_mem>>) src(%dma_wait3A_52 : memref<256xi32, #tpu.memory_space<hbm>>) dst(%arg7 : memref<256xi32, #tpu.memory_space<vmem>>)
        tpu.yield
      }) : () -> ()
      "tpu.region"() ({
        %run_scoped3A = tpu.sem_alloc : memref<!tpu.dma_semaphore, #tpu.memory_space<semaphore_mem>>
        %dma_start3A_49 = tpu.memref_slice %arg4[%add3A_44] : memref<327680xi32, #tpu.memory_space<hbm>> -> memref<256xi32, #tpu.memory_space<hbm>>
        %dma_start3A_50 = tpu.memref_slice %arg4[%add3A_44] : memref<327680xi32, #tpu.memory_space<hbm>> -> memref<256xi32, #tpu.memory_space<hbm>>
        tpu.enqueue_dma source(%dma_start3A_50 : memref<256xi32, #tpu.memory_space<hbm>>) target(%arg8 : memref<256xi32, #tpu.memory_space<vmem>>) target_semaphore(%run_scoped3A : memref<!tpu.dma_semaphore, #tpu.memory_space<semaphore_mem>>)
        %dma_wait3A_51 = tpu.memref_slice %arg4[%add3A_44] : memref<327680xi32, #tpu.memory_space<hbm>> -> memref<256xi32, #tpu.memory_space<hbm>>
        %dma_wait3A_52 = tpu.memref_slice %arg4[%add3A_44] : memref<327680xi32, #tpu.memory_space<hbm>> -> memref<256xi32, #tpu.memory_space<hbm>>
        tpu.wait_dma2 semaphore(%run_scoped3A : memref<!tpu.dma_semaphore, #tpu.memory_space<semaphore_mem>>) src(%dma_wait3A_52 : memref<256xi32, #tpu.memory_space<hbm>>) dst(%arg8 : memref<256xi32, #tpu.memory_space<vmem>>)
        tpu.yield
      }) : () -> ()
      %dma_start3A = arith.constant 0 : i32
      %dma_start3A_45 = arith.constant 0 : i32
      %dma_start3A_46 = tpu.memref_slice %arg2[%dma_start3A, %dma_start3A_45] : memref<10240x128xf32, #tpu.memory_space<hbm>> -> memref<10240x128xf32, #tpu.memory_space<hbm>>
      tpu.enqueue_indirect_dma source(%dma_start3A_46 : memref<10240x128xf32, #tpu.memory_space<hbm>>) target(%arg9 : memref<256x128xf32, #tpu.memory_space<vmem>>) offsets(%arg7 : memref<256xi32, #tpu.memory_space<vmem>>) semaphore(%arg11 : memref<!tpu.dma_semaphore, #tpu.memory_space<semaphore_mem>>)
      %dma_wait3A = arith.constant 0 : i32
      %dma_wait3A_47 = arith.constant 0 : i32
      %dma_wait3A_48 = tpu.memref_slice %arg2[%dma_wait3A, %dma_wait3A_47] : memref<10240x128xf32, #tpu.memory_space<hbm>> -> memref<10240x128xf32, #tpu.memory_space<hbm>>
      tpu.wait_indirect_dma semaphore(%arg11 : memref<!tpu.dma_semaphore, #tpu.memory_space<semaphore_mem>>) src(%dma_wait3A_48 : memref<10240x128xf32, #tpu.memory_space<hbm>>) dst(%arg9 : memref<256x128xf32, #tpu.memory_space<vmem>>)
      "tpu.region"() ({
        %run_scoped3A = tpu.sem_alloc : memref<!tpu.dma_semaphore, #tpu.memory_space<semaphore_mem>>
        %dma_start3A_49 = arith.constant 0 : i32
        %dma_start3A_50 = arith.constant 0 : i32
        %dma_start3A_51 = tpu.memref_slice %arg10[%dma_start3A_49, %dma_start3A_50] : memref<10240x128xf32, #tpu.memory_space<vmem_shared>> -> memref<10240x128xf32, #tpu.memory_space<vmem_shared>>
        tpu.enqueue_indirect_dma source(%arg9 : memref<256x128xf32, #tpu.memory_space<vmem>>) target(%dma_start3A_51 : memref<10240x128xf32, #tpu.memory_space<vmem_shared>>) offsets(%arg8 : memref<256xi32, #tpu.memory_space<vmem>>) semaphore(%run_scoped3A : memref<!tpu.dma_semaphore, #tpu.memory_space<semaphore_mem>>) {add = true}
        %dma_wait3A_52 = arith.constant 0 : i32
        %dma_wait3A_53 = arith.constant 0 : i32
        %dma_wait3A_54 = tpu.memref_slice %arg10[%dma_wait3A_52, %dma_wait3A_53] : memref<10240x128xf32, #tpu.memory_space<vmem_shared>> -> memref<10240x128xf32, #tpu.memory_space<vmem_shared>>
        tpu.wait_indirect_dma semaphore(%run_scoped3A : memref<!tpu.dma_semaphore, #tpu.memory_space<semaphore_mem>>) src(%arg9 : memref<256x128xf32, #tpu.memory_space<vmem>>) dst(%dma_wait3A_54 : memref<10240x128xf32, #tpu.memory_space<vmem_shared>>)
        tpu.yield
      }) : () -> ()
    }
    %barrier3A_35 = arith.constant 0 : index
    tpu.barrier barrier_id(%barrier3A_35)
    %mul3A_36 = arith.constant 10240 : i32
    %mul3A_37 = arith.muli %arg0, %mul3A_36 : i32
    %add3A_38 = arith.addi %mul3A_37, %mul3A_0 : i32
    "tpu.region"() ({
      %run_scoped3A = tpu.sem_alloc : memref<!tpu.dma_semaphore, #tpu.memory_space<semaphore_mem>>
      %dma_start3A = arith.constant 0 : i32
      %dma_start3A_39 = tpu.memref_slice %arg6[%add3A_38, %dma_start3A] : memref<20480x128xf32, #tpu.memory_space<hbm>> -> memref<640x128xf32, #tpu.memory_space<hbm>>
      %dma_start3A_40 = arith.constant 0 : i32
      %dma_start3A_41 = tpu.memref_slice %arg10[%mul3A_0, %dma_start3A_40] : memref<10240x128xf32, #tpu.memory_space<vmem_shared>> -> memref<640x128xf32, #tpu.memory_space<vmem_shared>>
      tpu.enqueue_dma source(%dma_start3A_41 : memref<640x128xf32, #tpu.memory_space<vmem_shared>>) target(%dma_start3A_39 : memref<640x128xf32, #tpu.memory_space<hbm>>) target_semaphore(%run_scoped3A : memref<!tpu.dma_semaphore, #tpu.memory_space<semaphore_mem>>)
      %dma_wait3A = arith.constant 0 : i32
      %dma_wait3A_42 = tpu.memref_slice %arg6[%add3A_38, %dma_wait3A] : memref<20480x128xf32, #tpu.memory_space<hbm>> -> memref<640x128xf32, #tpu.memory_space<hbm>>
      %dma_wait3A_43 = arith.constant 0 : i32
      %dma_wait3A_44 = tpu.memref_slice %arg10[%mul3A_0, %dma_wait3A_43] : memref<10240x128xf32, #tpu.memory_space<vmem_shared>> -> memref<640x128xf32, #tpu.memory_space<vmem_shared>>
      tpu.wait_dma2 semaphore(%run_scoped3A : memref<!tpu.dma_semaphore, #tpu.memory_space<semaphore_mem>>) src(%dma_wait3A_44 : memref<640x128xf32, #tpu.memory_space<vmem_shared>>) dst(%dma_wait3A_42 : memref<640x128xf32, #tpu.memory_space<hbm>>)
      tpu.yield
    }) : () -> ()
    return
  }
}

#map = affine_map<(d0, d1) -> (0, 0)>
#map1 = affine_map<(d0, d1) -> (0)>
module attributes {stable_mosaic.version = 14 : i64} {
  func.func @edge_kernel(%arg0: i32, %arg1: i32, %arg2: memref<10240x128xf32, #tpu.memory_space<hbm>>, %arg3: memref<327680xi32, #tpu.memory_space<hbm>>, %arg4: memref<327680xi32, #tpu.memory_space<hbm>>, %arg5: memref<128x128xf32, #tpu.memory_space<hbm>>, %arg6: memref<20480x128xf32, #tpu.memory_space<hbm>>, %arg7: memref<256xi32, #tpu.memory_space<vmem>>, %arg8: memref<256xi32, #tpu.memory_space<vmem>>, %arg9: memref<256x128xf32, #tpu.memory_space<vmem>>, %arg10: memref<10240x128xf32, #tpu.memory_space<vmem_shared>>, %arg11: memref<!tpu.dma_semaphore, #tpu.memory_space<semaphore_mem>>) attributes {dimension_semantics = [#tpu.dimension_semantics<core_parallel>, #tpu.dimension_semantics<subcore_parallel>], iteration_bounds = array<i64: 2, 16>, scalar_prefetch = 0 : i64, scratch_operands = 5 : i64, tpu.core_type = #tpu.core_type<sc_vector_subcore>, window_params = [{transform_indices = #map}, {transform_indices = #map1}, {transform_indices = #map1}, {transform_indices = #map}, {transform_indices = #map}]} {
    %mul3A = arith.constant 640 : i32
    %mul3A_0 = arith.muli %arg1, %mul3A : i32
    %eq3A = arith.constant 0 : i32
    %eq3A_1 = arith.cmpi eq, %arg0, %eq3A : i32
    %jit3A = arith.constant 58 : i32
    %jit3A_2 = arith.constant 22 : i32
    %select_n3A = arith.select %eq3A_1, %jit3A, %jit3A_2 : i32
    %mul3A_3 = arith.constant 80 : i32
    %mul3A_4 = arith.muli %arg1, %mul3A_3 : i32
    %mul3A_5 = arith.constant 58 : i32
    %mul3A_6 = arith.muli %arg0, %mul3A_5 : i32
    %add3A = arith.addi %mul3A_4, %mul3A_6 : i32
    %mul3A_7 = arith.constant 256 : i32
    %mul3A_8 = arith.muli %add3A, %mul3A_7 : i32
    "tpu.region"() ({
      %run_scoped3A = tpu.sem_alloc : memref<!tpu.dma_semaphore, #tpu.memory_space<semaphore_mem>>
      %dma_start3A = arith.constant 0 : i32
      %dma_start3A_39 = arith.constant 0 : i32
      %dma_start3A_40 = tpu.memref_slice %arg9[%dma_start3A, %dma_start3A_39] : memref<256x128xf32, #tpu.memory_space<vmem>> -> memref<128x128xf32, #tpu.memory_space<vmem>>
      %dma_start3A_41 = arith.constant 0 : i32
      %dma_start3A_42 = arith.constant 0 : i32
      %dma_start3A_43 = tpu.memref_slice %arg9[%dma_start3A_41, %dma_start3A_42] : memref<256x128xf32, #tpu.memory_space<vmem>> -> memref<128x128xf32, #tpu.memory_space<vmem>>
      tpu.enqueue_dma source(%arg5 : memref<128x128xf32, #tpu.memory_space<hbm>>) target(%dma_start3A_43 : memref<128x128xf32, #tpu.memory_space<vmem>>) target_semaphore(%run_scoped3A : memref<!tpu.dma_semaphore, #tpu.memory_space<semaphore_mem>>)
      %dma_wait3A = arith.constant 0 : i32
      %dma_wait3A_44 = arith.constant 0 : i32
      %dma_wait3A_45 = tpu.memref_slice %arg9[%dma_wait3A, %dma_wait3A_44] : memref<256x128xf32, #tpu.memory_space<vmem>> -> memref<128x128xf32, #tpu.memory_space<vmem>>
      %dma_wait3A_46 = arith.constant 0 : i32
      %dma_wait3A_47 = arith.constant 0 : i32
      %dma_wait3A_48 = tpu.memref_slice %arg9[%dma_wait3A_46, %dma_wait3A_47] : memref<256x128xf32, #tpu.memory_space<vmem>> -> memref<128x128xf32, #tpu.memory_space<vmem>>
      tpu.wait_dma2 semaphore(%run_scoped3A : memref<!tpu.dma_semaphore, #tpu.memory_space<semaphore_mem>>) src(%arg5 : memref<128x128xf32, #tpu.memory_space<hbm>>) dst(%dma_wait3A_48 : memref<128x128xf32, #tpu.memory_space<vmem>>)
      tpu.yield
    }) : () -> ()
    %add3A_9 = arith.constant 0 : i32
    %add3A_10 = arith.addi %mul3A_0, %add3A_9 : i32
    "tpu.region"() ({
      %run_scoped3A = tpu.sem_alloc : memref<!tpu.dma_semaphore, #tpu.memory_space<semaphore_mem>>
      %dma_start3A = arith.constant 0 : i32
      %dma_start3A_39 = arith.constant 0 : i32
      %dma_start3A_40 = tpu.memref_slice %arg9[%dma_start3A, %dma_start3A_39] : memref<256x128xf32, #tpu.memory_space<vmem>> -> memref<128x128xf32, #tpu.memory_space<vmem>>
      %dma_start3A_41 = arith.constant 0 : i32
      %dma_start3A_42 = tpu.memref_slice %arg10[%add3A_10, %dma_start3A_41] : memref<10240x128xf32, #tpu.memory_space<vmem_shared>> -> memref<128x128xf32, #tpu.memory_space<vmem_shared>>
      %dma_start3A_43 = arith.constant 0 : i32
      %dma_start3A_44 = tpu.memref_slice %arg10[%add3A_10, %dma_start3A_43] : memref<10240x128xf32, #tpu.memory_space<vmem_shared>> -> memref<128x128xf32, #tpu.memory_space<vmem_shared>>
      %dma_start3A_45 = arith.constant 0 : i32
      %dma_start3A_46 = arith.constant 0 : i32
      %dma_start3A_47 = tpu.memref_slice %arg9[%dma_start3A_45, %dma_start3A_46] : memref<256x128xf32, #tpu.memory_space<vmem>> -> memref<128x128xf32, #tpu.memory_space<vmem>>
      tpu.enqueue_dma source(%dma_start3A_47 : memref<128x128xf32, #tpu.memory_space<vmem>>) target(%dma_start3A_44 : memref<128x128xf32, #tpu.memory_space<vmem_shared>>) target_semaphore(%run_scoped3A : memref<!tpu.dma_semaphore, #tpu.memory_space<semaphore_mem>>)
      %dma_wait3A = arith.constant 0 : i32
      %dma_wait3A_48 = arith.constant 0 : i32
      %dma_wait3A_49 = tpu.memref_slice %arg9[%dma_wait3A, %dma_wait3A_48] : memref<256x128xf32, #tpu.memory_space<vmem>> -> memref<128x128xf32, #tpu.memory_space<vmem>>
      %dma_wait3A_50 = arith.constant 0 : i32
      %dma_wait3A_51 = tpu.memref_slice %arg10[%add3A_10, %dma_wait3A_50] : memref<10240x128xf32, #tpu.memory_space<vmem_shared>> -> memref<128x128xf32, #tpu.memory_space<vmem_shared>>
      %dma_wait3A_52 = arith.constant 0 : i32
      %dma_wait3A_53 = tpu.memref_slice %arg10[%add3A_10, %dma_wait3A_52] : memref<10240x128xf32, #tpu.memory_space<vmem_shared>> -> memref<128x128xf32, #tpu.memory_space<vmem_shared>>
      %dma_wait3A_54 = arith.constant 0 : i32
      %dma_wait3A_55 = arith.constant 0 : i32
      %dma_wait3A_56 = tpu.memref_slice %arg9[%dma_wait3A_54, %dma_wait3A_55] : memref<256x128xf32, #tpu.memory_space<vmem>> -> memref<128x128xf32, #tpu.memory_space<vmem>>
      tpu.wait_dma2 semaphore(%run_scoped3A : memref<!tpu.dma_semaphore, #tpu.memory_space<semaphore_mem>>) src(%dma_wait3A_56 : memref<128x128xf32, #tpu.memory_space<vmem>>) dst(%dma_wait3A_53 : memref<128x128xf32, #tpu.memory_space<vmem_shared>>)
      tpu.yield
    }) : () -> ()
    %add3A_11 = arith.constant 128 : i32
    %add3A_12 = arith.addi %mul3A_0, %add3A_11 : i32
    "tpu.region"() ({
      %run_scoped3A = tpu.sem_alloc : memref<!tpu.dma_semaphore, #tpu.memory_space<semaphore_mem>>
      %dma_start3A = arith.constant 0 : i32
      %dma_start3A_39 = arith.constant 0 : i32
      %dma_start3A_40 = tpu.memref_slice %arg9[%dma_start3A, %dma_start3A_39] : memref<256x128xf32, #tpu.memory_space<vmem>> -> memref<128x128xf32, #tpu.memory_space<vmem>>
      %dma_start3A_41 = arith.constant 0 : i32
      %dma_start3A_42 = tpu.memref_slice %arg10[%add3A_12, %dma_start3A_41] : memref<10240x128xf32, #tpu.memory_space<vmem_shared>> -> memref<128x128xf32, #tpu.memory_space<vmem_shared>>
      %dma_start3A_43 = arith.constant 0 : i32
      %dma_start3A_44 = tpu.memref_slice %arg10[%add3A_12, %dma_start3A_43] : memref<10240x128xf32, #tpu.memory_space<vmem_shared>> -> memref<128x128xf32, #tpu.memory_space<vmem_shared>>
      %dma_start3A_45 = arith.constant 0 : i32
      %dma_start3A_46 = arith.constant 0 : i32
      %dma_start3A_47 = tpu.memref_slice %arg9[%dma_start3A_45, %dma_start3A_46] : memref<256x128xf32, #tpu.memory_space<vmem>> -> memref<128x128xf32, #tpu.memory_space<vmem>>
      tpu.enqueue_dma source(%dma_start3A_47 : memref<128x128xf32, #tpu.memory_space<vmem>>) target(%dma_start3A_44 : memref<128x128xf32, #tpu.memory_space<vmem_shared>>) target_semaphore(%run_scoped3A : memref<!tpu.dma_semaphore, #tpu.memory_space<semaphore_mem>>)
      %dma_wait3A = arith.constant 0 : i32
      %dma_wait3A_48 = arith.constant 0 : i32
      %dma_wait3A_49 = tpu.memref_slice %arg9[%dma_wait3A, %dma_wait3A_48] : memref<256x128xf32, #tpu.memory_space<vmem>> -> memref<128x128xf32, #tpu.memory_space<vmem>>
      %dma_wait3A_50 = arith.constant 0 : i32
      %dma_wait3A_51 = tpu.memref_slice %arg10[%add3A_12, %dma_wait3A_50] : memref<10240x128xf32, #tpu.memory_space<vmem_shared>> -> memref<128x128xf32, #tpu.memory_space<vmem_shared>>
      %dma_wait3A_52 = arith.constant 0 : i32
      %dma_wait3A_53 = tpu.memref_slice %arg10[%add3A_12, %dma_wait3A_52] : memref<10240x128xf32, #tpu.memory_space<vmem_shared>> -> memref<128x128xf32, #tpu.memory_space<vmem_shared>>
      %dma_wait3A_54 = arith.constant 0 : i32
      %dma_wait3A_55 = arith.constant 0 : i32
      %dma_wait3A_56 = tpu.memref_slice %arg9[%dma_wait3A_54, %dma_wait3A_55] : memref<256x128xf32, #tpu.memory_space<vmem>> -> memref<128x128xf32, #tpu.memory_space<vmem>>
      tpu.wait_dma2 semaphore(%run_scoped3A : memref<!tpu.dma_semaphore, #tpu.memory_space<semaphore_mem>>) src(%dma_wait3A_56 : memref<128x128xf32, #tpu.memory_space<vmem>>) dst(%dma_wait3A_53 : memref<128x128xf32, #tpu.memory_space<vmem_shared>>)
      tpu.yield
    }) : () -> ()
    %add3A_13 = arith.constant 256 : i32
    %add3A_14 = arith.addi %mul3A_0, %add3A_13 : i32
    "tpu.region"() ({
      %run_scoped3A = tpu.sem_alloc : memref<!tpu.dma_semaphore, #tpu.memory_space<semaphore_mem>>
      %dma_start3A = arith.constant 0 : i32
      %dma_start3A_39 = arith.constant 0 : i32
      %dma_start3A_40 = tpu.memref_slice %arg9[%dma_start3A, %dma_start3A_39] : memref<256x128xf32, #tpu.memory_space<vmem>> -> memref<128x128xf32, #tpu.memory_space<vmem>>
      %dma_start3A_41 = arith.constant 0 : i32
      %dma_start3A_42 = tpu.memref_slice %arg10[%add3A_14, %dma_start3A_41] : memref<10240x128xf32, #tpu.memory_space<vmem_shared>> -> memref<128x128xf32, #tpu.memory_space<vmem_shared>>
      %dma_start3A_43 = arith.constant 0 : i32
      %dma_start3A_44 = tpu.memref_slice %arg10[%add3A_14, %dma_start3A_43] : memref<10240x128xf32, #tpu.memory_space<vmem_shared>> -> memref<128x128xf32, #tpu.memory_space<vmem_shared>>
      %dma_start3A_45 = arith.constant 0 : i32
      %dma_start3A_46 = arith.constant 0 : i32
      %dma_start3A_47 = tpu.memref_slice %arg9[%dma_start3A_45, %dma_start3A_46] : memref<256x128xf32, #tpu.memory_space<vmem>> -> memref<128x128xf32, #tpu.memory_space<vmem>>
      tpu.enqueue_dma source(%dma_start3A_47 : memref<128x128xf32, #tpu.memory_space<vmem>>) target(%dma_start3A_44 : memref<128x128xf32, #tpu.memory_space<vmem_shared>>) target_semaphore(%run_scoped3A : memref<!tpu.dma_semaphore, #tpu.memory_space<semaphore_mem>>)
      %dma_wait3A = arith.constant 0 : i32
      %dma_wait3A_48 = arith.constant 0 : i32
      %dma_wait3A_49 = tpu.memref_slice %arg9[%dma_wait3A, %dma_wait3A_48] : memref<256x128xf32, #tpu.memory_space<vmem>> -> memref<128x128xf32, #tpu.memory_space<vmem>>
      %dma_wait3A_50 = arith.constant 0 : i32
      %dma_wait3A_51 = tpu.memref_slice %arg10[%add3A_14, %dma_wait3A_50] : memref<10240x128xf32, #tpu.memory_space<vmem_shared>> -> memref<128x128xf32, #tpu.memory_space<vmem_shared>>
      %dma_wait3A_52 = arith.constant 0 : i32
      %dma_wait3A_53 = tpu.memref_slice %arg10[%add3A_14, %dma_wait3A_52] : memref<10240x128xf32, #tpu.memory_space<vmem_shared>> -> memref<128x128xf32, #tpu.memory_space<vmem_shared>>
      %dma_wait3A_54 = arith.constant 0 : i32
      %dma_wait3A_55 = arith.constant 0 : i32
      %dma_wait3A_56 = tpu.memref_slice %arg9[%dma_wait3A_54, %dma_wait3A_55] : memref<256x128xf32, #tpu.memory_space<vmem>> -> memref<128x128xf32, #tpu.memory_space<vmem>>
      tpu.wait_dma2 semaphore(%run_scoped3A : memref<!tpu.dma_semaphore, #tpu.memory_space<semaphore_mem>>) src(%dma_wait3A_56 : memref<128x128xf32, #tpu.memory_space<vmem>>) dst(%dma_wait3A_53 : memref<128x128xf32, #tpu.memory_space<vmem_shared>>)
      tpu.yield
    }) : () -> ()
    %add3A_15 = arith.constant 384 : i32
    %add3A_16 = arith.addi %mul3A_0, %add3A_15 : i32
    "tpu.region"() ({
      %run_scoped3A = tpu.sem_alloc : memref<!tpu.dma_semaphore, #tpu.memory_space<semaphore_mem>>
      %dma_start3A = arith.constant 0 : i32
      %dma_start3A_39 = arith.constant 0 : i32
      %dma_start3A_40 = tpu.memref_slice %arg9[%dma_start3A, %dma_start3A_39] : memref<256x128xf32, #tpu.memory_space<vmem>> -> memref<128x128xf32, #tpu.memory_space<vmem>>
      %dma_start3A_41 = arith.constant 0 : i32
      %dma_start3A_42 = tpu.memref_slice %arg10[%add3A_16, %dma_start3A_41] : memref<10240x128xf32, #tpu.memory_space<vmem_shared>> -> memref<128x128xf32, #tpu.memory_space<vmem_shared>>
      %dma_start3A_43 = arith.constant 0 : i32
      %dma_start3A_44 = tpu.memref_slice %arg10[%add3A_16, %dma_start3A_43] : memref<10240x128xf32, #tpu.memory_space<vmem_shared>> -> memref<128x128xf32, #tpu.memory_space<vmem_shared>>
      %dma_start3A_45 = arith.constant 0 : i32
      %dma_start3A_46 = arith.constant 0 : i32
      %dma_start3A_47 = tpu.memref_slice %arg9[%dma_start3A_45, %dma_start3A_46] : memref<256x128xf32, #tpu.memory_space<vmem>> -> memref<128x128xf32, #tpu.memory_space<vmem>>
      tpu.enqueue_dma source(%dma_start3A_47 : memref<128x128xf32, #tpu.memory_space<vmem>>) target(%dma_start3A_44 : memref<128x128xf32, #tpu.memory_space<vmem_shared>>) target_semaphore(%run_scoped3A : memref<!tpu.dma_semaphore, #tpu.memory_space<semaphore_mem>>)
      %dma_wait3A = arith.constant 0 : i32
      %dma_wait3A_48 = arith.constant 0 : i32
      %dma_wait3A_49 = tpu.memref_slice %arg9[%dma_wait3A, %dma_wait3A_48] : memref<256x128xf32, #tpu.memory_space<vmem>> -> memref<128x128xf32, #tpu.memory_space<vmem>>
      %dma_wait3A_50 = arith.constant 0 : i32
      %dma_wait3A_51 = tpu.memref_slice %arg10[%add3A_16, %dma_wait3A_50] : memref<10240x128xf32, #tpu.memory_space<vmem_shared>> -> memref<128x128xf32, #tpu.memory_space<vmem_shared>>
      %dma_wait3A_52 = arith.constant 0 : i32
      %dma_wait3A_53 = tpu.memref_slice %arg10[%add3A_16, %dma_wait3A_52] : memref<10240x128xf32, #tpu.memory_space<vmem_shared>> -> memref<128x128xf32, #tpu.memory_space<vmem_shared>>
      %dma_wait3A_54 = arith.constant 0 : i32
      %dma_wait3A_55 = arith.constant 0 : i32
      %dma_wait3A_56 = tpu.memref_slice %arg9[%dma_wait3A_54, %dma_wait3A_55] : memref<256x128xf32, #tpu.memory_space<vmem>> -> memref<128x128xf32, #tpu.memory_space<vmem>>
      tpu.wait_dma2 semaphore(%run_scoped3A : memref<!tpu.dma_semaphore, #tpu.memory_space<semaphore_mem>>) src(%dma_wait3A_56 : memref<128x128xf32, #tpu.memory_space<vmem>>) dst(%dma_wait3A_53 : memref<128x128xf32, #tpu.memory_space<vmem_shared>>)
      tpu.yield
    }) : () -> ()
    %add3A_17 = arith.constant 512 : i32
    %add3A_18 = arith.addi %mul3A_0, %add3A_17 : i32
    "tpu.region"() ({
      %run_scoped3A = tpu.sem_alloc : memref<!tpu.dma_semaphore, #tpu.memory_space<semaphore_mem>>
      %dma_start3A = arith.constant 0 : i32
      %dma_start3A_39 = arith.constant 0 : i32
      %dma_start3A_40 = tpu.memref_slice %arg9[%dma_start3A, %dma_start3A_39] : memref<256x128xf32, #tpu.memory_space<vmem>> -> memref<128x128xf32, #tpu.memory_space<vmem>>
      %dma_start3A_41 = arith.constant 0 : i32
      %dma_start3A_42 = tpu.memref_slice %arg10[%add3A_18, %dma_start3A_41] : memref<10240x128xf32, #tpu.memory_space<vmem_shared>> -> memref<128x128xf32, #tpu.memory_space<vmem_shared>>
      %dma_start3A_43 = arith.constant 0 : i32
      %dma_start3A_44 = tpu.memref_slice %arg10[%add3A_18, %dma_start3A_43] : memref<10240x128xf32, #tpu.memory_space<vmem_shared>> -> memref<128x128xf32, #tpu.memory_space<vmem_shared>>
      %dma_start3A_45 = arith.constant 0 : i32
      %dma_start3A_46 = arith.constant 0 : i32
      %dma_start3A_47 = tpu.memref_slice %arg9[%dma_start3A_45, %dma_start3A_46] : memref<256x128xf32, #tpu.memory_space<vmem>> -> memref<128x128xf32, #tpu.memory_space<vmem>>
      tpu.enqueue_dma source(%dma_start3A_47 : memref<128x128xf32, #tpu.memory_space<vmem>>) target(%dma_start3A_44 : memref<128x128xf32, #tpu.memory_space<vmem_shared>>) target_semaphore(%run_scoped3A : memref<!tpu.dma_semaphore, #tpu.memory_space<semaphore_mem>>)
      %dma_wait3A = arith.constant 0 : i32
      %dma_wait3A_48 = arith.constant 0 : i32
      %dma_wait3A_49 = tpu.memref_slice %arg9[%dma_wait3A, %dma_wait3A_48] : memref<256x128xf32, #tpu.memory_space<vmem>> -> memref<128x128xf32, #tpu.memory_space<vmem>>
      %dma_wait3A_50 = arith.constant 0 : i32
      %dma_wait3A_51 = tpu.memref_slice %arg10[%add3A_18, %dma_wait3A_50] : memref<10240x128xf32, #tpu.memory_space<vmem_shared>> -> memref<128x128xf32, #tpu.memory_space<vmem_shared>>
      %dma_wait3A_52 = arith.constant 0 : i32
      %dma_wait3A_53 = tpu.memref_slice %arg10[%add3A_18, %dma_wait3A_52] : memref<10240x128xf32, #tpu.memory_space<vmem_shared>> -> memref<128x128xf32, #tpu.memory_space<vmem_shared>>
      %dma_wait3A_54 = arith.constant 0 : i32
      %dma_wait3A_55 = arith.constant 0 : i32
      %dma_wait3A_56 = tpu.memref_slice %arg9[%dma_wait3A_54, %dma_wait3A_55] : memref<256x128xf32, #tpu.memory_space<vmem>> -> memref<128x128xf32, #tpu.memory_space<vmem>>
      tpu.wait_dma2 semaphore(%run_scoped3A : memref<!tpu.dma_semaphore, #tpu.memory_space<semaphore_mem>>) src(%dma_wait3A_56 : memref<128x128xf32, #tpu.memory_space<vmem>>) dst(%dma_wait3A_53 : memref<128x128xf32, #tpu.memory_space<vmem_shared>>)
      tpu.yield
    }) : () -> ()
    %barrier3A = arith.constant 0 : index
    tpu.barrier barrier_id(%barrier3A)
    %sub3A = arith.constant 0 : i32
    %sub3A_19 = arith.subi %select_n3A, %sub3A : i32
    %sub3A_20 = arith.constant 1 : i32
    %sub3A_21 = arith.constant 1 : i32
    %sub3A_22 = arith.subi %sub3A_20, %sub3A_21 : i32
    %add3A_23 = arith.addi %sub3A_19, %sub3A_22 : i32
    %div3A = arith.constant 1 : i32
    %div3A_24 = arith.divsi %add3A_23, %div3A : i32
    %while3A = arith.constant 1 : i32
    %while3A_25 = arith.constant 0 : i32
    %while3A_26 = arith.constant 0 : i32
    %while3A_27 = arith.subi %div3A_24, %while3A_26 : i32
    %while3A_28 = arith.addi %while3A_26, %while3A_27 : i32
    %while3A_29 = arith.constant 1 : i32
    %while3A_30 = arith.divsi %while3A_27, %while3A_29 : i32
    %while3A_31 = arith.muli %while3A_30, %while3A_29 : i32
    %while3A_32 = arith.addi %while3A_26, %while3A_31 : i32
    %while3A_33 = arith.constant 1 : i32
    scf.for %while3A_39 = %while3A_26 to %while3A_32 step %while3A_33  : i32 {
      %mul3A_40 = arith.muli %while3A_39, %while3A : i32
      %add3A_41 = arith.addi %while3A_25, %mul3A_40 : i32
      %mul3A_42 = arith.constant 256 : i32
      %mul3A_43 = arith.muli %add3A_41, %mul3A_42 : i32
      %add3A_44 = arith.addi %mul3A_8, %mul3A_43 : i32
      "tpu.region"() ({
        %run_scoped3A = tpu.sem_alloc : memref<!tpu.dma_semaphore, #tpu.memory_space<semaphore_mem>>
        %dma_start3A_49 = tpu.memref_slice %arg3[%add3A_44] : memref<327680xi32, #tpu.memory_space<hbm>> -> memref<256xi32, #tpu.memory_space<hbm>>
        %dma_start3A_50 = tpu.memref_slice %arg3[%add3A_44] : memref<327680xi32, #tpu.memory_space<hbm>> -> memref<256xi32, #tpu.memory_space<hbm>>
        tpu.enqueue_dma source(%dma_start3A_50 : memref<256xi32, #tpu.memory_space<hbm>>) target(%arg7 : memref<256xi32, #tpu.memory_space<vmem>>) target_semaphore(%run_scoped3A : memref<!tpu.dma_semaphore, #tpu.memory_space<semaphore_mem>>)
        %dma_wait3A_51 = tpu.memref_slice %arg3[%add3A_44] : memref<327680xi32, #tpu.memory_space<hbm>> -> memref<256xi32, #tpu.memory_space<hbm>>
        %dma_wait3A_52 = tpu.memref_slice %arg3[%add3A_44] : memref<327680xi32, #tpu.memory_space<hbm>> -> memref<256xi32, #tpu.memory_space<hbm>>
        tpu.wait_dma2 semaphore(%run_scoped3A : memref<!tpu.dma_semaphore, #tpu.memory_space<semaphore_mem>>) src(%dma_wait3A_52 : memref<256xi32, #tpu.memory_space<hbm>>) dst(%arg7 : memref<256xi32, #tpu.memory_space<vmem>>)
        tpu.yield
      }) : () -> ()
      "tpu.region"() ({
        %run_scoped3A = tpu.sem_alloc : memref<!tpu.dma_semaphore, #tpu.memory_space<semaphore_mem>>
        %dma_start3A_49 = tpu.memref_slice %arg4[%add3A_44] : memref<327680xi32, #tpu.memory_space<hbm>> -> memref<256xi32, #tpu.memory_space<hbm>>
        %dma_start3A_50 = tpu.memref_slice %arg4[%add3A_44] : memref<327680xi32, #tpu.memory_space<hbm>> -> memref<256xi32, #tpu.memory_space<hbm>>
        tpu.enqueue_dma source(%dma_start3A_50 : memref<256xi32, #tpu.memory_space<hbm>>) target(%arg8 : memref<256xi32, #tpu.memory_space<vmem>>) target_semaphore(%run_scoped3A : memref<!tpu.dma_semaphore, #tpu.memory_space<semaphore_mem>>)
        %dma_wait3A_51 = tpu.memref_slice %arg4[%add3A_44] : memref<327680xi32, #tpu.memory_space<hbm>> -> memref<256xi32, #tpu.memory_space<hbm>>
        %dma_wait3A_52 = tpu.memref_slice %arg4[%add3A_44] : memref<327680xi32, #tpu.memory_space<hbm>> -> memref<256xi32, #tpu.memory_space<hbm>>
        tpu.wait_dma2 semaphore(%run_scoped3A : memref<!tpu.dma_semaphore, #tpu.memory_space<semaphore_mem>>) src(%dma_wait3A_52 : memref<256xi32, #tpu.memory_space<hbm>>) dst(%arg8 : memref<256xi32, #tpu.memory_space<vmem>>)
        tpu.yield
      }) : () -> ()
      %dma_start3A = arith.constant 0 : i32
      %dma_start3A_45 = arith.constant 0 : i32
      %dma_start3A_46 = tpu.memref_slice %arg2[%dma_start3A, %dma_start3A_45] : memref<10240x128xf32, #tpu.memory_space<hbm>> -> memref<10240x128xf32, #tpu.memory_space<hbm>>
      tpu.enqueue_indirect_dma source(%dma_start3A_46 : memref<10240x128xf32, #tpu.memory_space<hbm>>) target(%arg9 : memref<256x128xf32, #tpu.memory_space<vmem>>) offsets(%arg7 : memref<256xi32, #tpu.memory_space<vmem>>) semaphore(%arg11 : memref<!tpu.dma_semaphore, #tpu.memory_space<semaphore_mem>>)
      %dma_wait3A = arith.constant 0 : i32
      %dma_wait3A_47 = arith.constant 0 : i32
      %dma_wait3A_48 = tpu.memref_slice %arg2[%dma_wait3A, %dma_wait3A_47] : memref<10240x128xf32, #tpu.memory_space<hbm>> -> memref<10240x128xf32, #tpu.memory_space<hbm>>
      tpu.wait_indirect_dma semaphore(%arg11 : memref<!tpu.dma_semaphore, #tpu.memory_space<semaphore_mem>>) src(%dma_wait3A_48 : memref<10240x128xf32, #tpu.memory_space<hbm>>) dst(%arg9 : memref<256x128xf32, #tpu.memory_space<vmem>>)
      "tpu.region"() ({
        %run_scoped3A = tpu.sem_alloc : memref<!tpu.dma_semaphore, #tpu.memory_space<semaphore_mem>>
        %dma_start3A_49 = arith.constant 0 : i32
        %dma_start3A_50 = arith.constant 0 : i32
        %dma_start3A_51 = tpu.memref_slice %arg10[%dma_start3A_49, %dma_start3A_50] : memref<10240x128xf32, #tpu.memory_space<vmem_shared>> -> memref<10240x128xf32, #tpu.memory_space<vmem_shared>>
        tpu.enqueue_indirect_dma source(%arg9 : memref<256x128xf32, #tpu.memory_space<vmem>>) target(%dma_start3A_51 : memref<10240x128xf32, #tpu.memory_space<vmem_shared>>) offsets(%arg8 : memref<256xi32, #tpu.memory_space<vmem>>) semaphore(%run_scoped3A : memref<!tpu.dma_semaphore, #tpu.memory_space<semaphore_mem>>) {add = true}
        %dma_wait3A_52 = arith.constant 0 : i32
        %dma_wait3A_53 = arith.constant 0 : i32
        %dma_wait3A_54 = tpu.memref_slice %arg10[%dma_wait3A_52, %dma_wait3A_53] : memref<10240x128xf32, #tpu.memory_space<vmem_shared>> -> memref<10240x128xf32, #tpu.memory_space<vmem_shared>>
        tpu.wait_indirect_dma semaphore(%run_scoped3A : memref<!tpu.dma_semaphore, #tpu.memory_space<semaphore_mem>>) src(%arg9 : memref<256x128xf32, #tpu.memory_space<vmem>>) dst(%dma_wait3A_54 : memref<10240x128xf32, #tpu.memory_space<vmem_shared>>)
        tpu.yield
      }) : () -> ()
    }
    %while3A_34 = arith.constant 1 : i32
    scf.for %while3A_39 = %while3A_32 to %while3A_28 step %while3A_34  : i32 {
      %mul3A_40 = arith.muli %while3A_39, %while3A : i32
      %add3A_41 = arith.addi %while3A_25, %mul3A_40 : i32
      %mul3A_42 = arith.constant 256 : i32
      %mul3A_43 = arith.muli %add3A_41, %mul3A_42 : i32
      %add3A_44 = arith.addi %mul3A_8, %mul3A_43 : i32
      "tpu.region"() ({
        %run_scoped3A = tpu.sem_alloc : memref<!tpu.dma_semaphore, #tpu.memory_space<semaphore_mem>>
        %dma_start3A_49 = tpu.memref_slice %arg3[%add3A_44] : memref<327680xi32, #tpu.memory_space<hbm>> -> memref<256xi32, #tpu.memory_space<hbm>>
        %dma_start3A_50 = tpu.memref_slice %arg3[%add3A_44] : memref<327680xi32, #tpu.memory_space<hbm>> -> memref<256xi32, #tpu.memory_space<hbm>>
        tpu.enqueue_dma source(%dma_start3A_50 : memref<256xi32, #tpu.memory_space<hbm>>) target(%arg7 : memref<256xi32, #tpu.memory_space<vmem>>) target_semaphore(%run_scoped3A : memref<!tpu.dma_semaphore, #tpu.memory_space<semaphore_mem>>)
        %dma_wait3A_51 = tpu.memref_slice %arg3[%add3A_44] : memref<327680xi32, #tpu.memory_space<hbm>> -> memref<256xi32, #tpu.memory_space<hbm>>
        %dma_wait3A_52 = tpu.memref_slice %arg3[%add3A_44] : memref<327680xi32, #tpu.memory_space<hbm>> -> memref<256xi32, #tpu.memory_space<hbm>>
        tpu.wait_dma2 semaphore(%run_scoped3A : memref<!tpu.dma_semaphore, #tpu.memory_space<semaphore_mem>>) src(%dma_wait3A_52 : memref<256xi32, #tpu.memory_space<hbm>>) dst(%arg7 : memref<256xi32, #tpu.memory_space<vmem>>)
        tpu.yield
      }) : () -> ()
      "tpu.region"() ({
        %run_scoped3A = tpu.sem_alloc : memref<!tpu.dma_semaphore, #tpu.memory_space<semaphore_mem>>
        %dma_start3A_49 = tpu.memref_slice %arg4[%add3A_44] : memref<327680xi32, #tpu.memory_space<hbm>> -> memref<256xi32, #tpu.memory_space<hbm>>
        %dma_start3A_50 = tpu.memref_slice %arg4[%add3A_44] : memref<327680xi32, #tpu.memory_space<hbm>> -> memref<256xi32, #tpu.memory_space<hbm>>
        tpu.enqueue_dma source(%dma_start3A_50 : memref<256xi32, #tpu.memory_space<hbm>>) target(%arg8 : memref<256xi32, #tpu.memory_space<vmem>>) target_semaphore(%run_scoped3A : memref<!tpu.dma_semaphore, #tpu.memory_space<semaphore_mem>>)
        %dma_wait3A_51 = tpu.memref_slice %arg4[%add3A_44] : memref<327680xi32, #tpu.memory_space<hbm>> -> memref<256xi32, #tpu.memory_space<hbm>>
        %dma_wait3A_52 = tpu.memref_slice %arg4[%add3A_44] : memref<327680xi32, #tpu.memory_space<hbm>> -> memref<256xi32, #tpu.memory_space<hbm>>
        tpu.wait_dma2 semaphore(%run_scoped3A : memref<!tpu.dma_semaphore, #tpu.memory_space<semaphore_mem>>) src(%dma_wait3A_52 : memref<256xi32, #tpu.memory_space<hbm>>) dst(%arg8 : memref<256xi32, #tpu.memory_space<vmem>>)
        tpu.yield
      }) : () -> ()
      %dma_start3A = arith.constant 0 : i32
      %dma_start3A_45 = arith.constant 0 : i32
      %dma_start3A_46 = tpu.memref_slice %arg2[%dma_start3A, %dma_start3A_45] : memref<10240x128xf32, #tpu.memory_space<hbm>> -> memref<10240x128xf32, #tpu.memory_space<hbm>>
      tpu.enqueue_indirect_dma source(%dma_start3A_46 : memref<10240x128xf32, #tpu.memory_space<hbm>>) target(%arg9 : memref<256x128xf32, #tpu.memory_space<vmem>>) offsets(%arg7 : memref<256xi32, #tpu.memory_space<vmem>>) semaphore(%arg11 : memref<!tpu.dma_semaphore, #tpu.memory_space<semaphore_mem>>)
      %dma_wait3A = arith.constant 0 : i32
      %dma_wait3A_47 = arith.constant 0 : i32
      %dma_wait3A_48 = tpu.memref_slice %arg2[%dma_wait3A, %dma_wait3A_47] : memref<10240x128xf32, #tpu.memory_space<hbm>> -> memref<10240x128xf32, #tpu.memory_space<hbm>>
      tpu.wait_indirect_dma semaphore(%arg11 : memref<!tpu.dma_semaphore, #tpu.memory_space<semaphore_mem>>) src(%dma_wait3A_48 : memref<10240x128xf32, #tpu.memory_space<hbm>>) dst(%arg9 : memref<256x128xf32, #tpu.memory_space<vmem>>)
      "tpu.region"() ({
        %run_scoped3A = tpu.sem_alloc : memref<!tpu.dma_semaphore, #tpu.memory_space<semaphore_mem>>
        %dma_start3A_49 = arith.constant 0 : i32
        %dma_start3A_50 = arith.constant 0 : i32
        %dma_start3A_51 = tpu.memref_slice %arg10[%dma_start3A_49, %dma_start3A_50] : memref<10240x128xf32, #tpu.memory_space<vmem_shared>> -> memref<10240x128xf32, #tpu.memory_space<vmem_shared>>
        tpu.enqueue_indirect_dma source(%arg9 : memref<256x128xf32, #tpu.memory_space<vmem>>) target(%dma_start3A_51 : memref<10240x128xf32, #tpu.memory_space<vmem_shared>>) offsets(%arg8 : memref<256xi32, #tpu.memory_space<vmem>>) semaphore(%run_scoped3A : memref<!tpu.dma_semaphore, #tpu.memory_space<semaphore_mem>>) {add = true}
        %dma_wait3A_52 = arith.constant 0 : i32
        %dma_wait3A_53 = arith.constant 0 : i32
        %dma_wait3A_54 = tpu.memref_slice %arg10[%dma_wait3A_52, %dma_wait3A_53] : memref<10240x128xf32, #tpu.memory_space<vmem_shared>> -> memref<10240x128xf32, #tpu.memory_space<vmem_shared>>
        tpu.wait_indirect_dma semaphore(%run_scoped3A : memref<!tpu.dma_semaphore, #tpu.memory_space<semaphore_mem>>) src(%arg9 : memref<256x128xf32, #tpu.memory_space<vmem>>) dst(%dma_wait3A_54 : memref<10240x128xf32, #tpu.memory_space<vmem_shared>>)
        tpu.yield
      }) : () -> ()
    }
    %barrier3A_35 = arith.constant 0 : index
    tpu.barrier barrier_id(%barrier3A_35)
    %mul3A_36 = arith.constant 10240 : i32
    %mul3A_37 = arith.muli %arg0, %mul3A_36 : i32
    %add3A_38 = arith.addi %mul3A_37, %mul3A_0 : i32
    "tpu.region"() ({
      %run_scoped3A = tpu.sem_alloc : memref<!tpu.dma_semaphore, #tpu.memory_space<semaphore_mem>>
      %dma_start3A = arith.constant 0 : i32
      %dma_start3A_39 = tpu.memref_slice %arg6[%add3A_38, %dma_start3A] : memref<20480x128xf32, #tpu.memory_space<hbm>> -> memref<640x128xf32, #tpu.memory_space<hbm>>
      %dma_start3A_40 = arith.constant 0 : i32
      %dma_start3A_41 = tpu.memref_slice %arg10[%mul3A_0, %dma_start3A_40] : memref<10240x128xf32, #tpu.memory_space<vmem_shared>> -> memref<640x128xf32, #tpu.memory_space<vmem_shared>>
      tpu.enqueue_dma source(%dma_start3A_41 : memref<640x128xf32, #tpu.memory_space<vmem_shared>>) target(%dma_start3A_39 : memref<640x128xf32, #tpu.memory_space<hbm>>) target_semaphore(%run_scoped3A : memref<!tpu.dma_semaphore, #tpu.memory_space<semaphore_mem>>)
      %dma_wait3A = arith.constant 0 : i32
      %dma_wait3A_42 = tpu.memref_slice %arg6[%add3A_38, %dma_wait3A] : memref<20480x128xf32, #tpu.memory_space<hbm>> -> memref<640x128xf32, #tpu.memory_space<hbm>>
      %dma_wait3A_43 = arith.constant 0 : i32
      %dma_wait3A_44 = tpu.memref_slice %arg10[%mul3A_0, %dma_wait3A_43] : memref<10240x128xf32, #tpu.memory_space<vmem_shared>> -> memref<640x128xf32, #tpu.memory_space<vmem_shared>>
      tpu.wait_dma2 semaphore(%run_scoped3A : memref<!tpu.dma_semaphore, #tpu.memory_space<semaphore_mem>>) src(%dma_wait3A_44 : memref<640x128xf32, #tpu.memory_space<vmem_shared>>) dst(%dma_wait3A_42 : memref<640x128xf32, #tpu.memory_space<hbm>>)
      tpu.yield
    }) : () -> ()
    return
  }
}

#map = affine_map<(d0, d1) -> (0)>
#map1 = affine_map<(d0, d1) -> (0, 0)>
module attributes {stable_mosaic.version = 14 : i64} {
  func.func @deg_kernel(%arg0: i32, %arg1: i32, %arg2: memref<327680xi32, #tpu.memory_space<hbm>>, %arg3: memref<256x128xf32, #tpu.memory_space<hbm>>, %arg4: memref<640x128xf32, #tpu.memory_space<hbm>>, %arg5: memref<20480x128xf32, #tpu.memory_space<hbm>>, %arg6: memref<256xi32, #tpu.memory_space<vmem>>, %arg7: memref<256xi32, #tpu.memory_space<vmem>>, %arg8: memref<256x128xf32, #tpu.memory_space<vmem>>, %arg9: memref<10240x128xf32, #tpu.memory_space<vmem_shared>>, %arg10: memref<!tpu.dma_semaphore, #tpu.memory_space<semaphore_mem>>, %arg11: memref<!tpu.dma_semaphore, #tpu.memory_space<semaphore_mem>>, %arg12: memref<!tpu.dma_semaphore, #tpu.memory_space<semaphore_mem>>, %arg13: memref<!tpu.dma_semaphore, #tpu.memory_space<semaphore_mem>>) attributes {dimension_semantics = [#tpu.dimension_semantics<core_parallel>, #tpu.dimension_semantics<subcore_parallel>], iteration_bounds = array<i64: 2, 16>, scalar_prefetch = 0 : i64, scratch_operands = 8 : i64, tpu.core_type = #tpu.core_type<sc_vector_subcore>, window_params = [{transform_indices = #map}, {transform_indices = #map1}, {transform_indices = #map1}, {transform_indices = #map1}]} {
    %mul3A = arith.constant 16 : i32
    %mul3A_0 = arith.muli %arg0, %mul3A : i32
    %add3A = arith.addi %mul3A_0, %arg1 : i32
    %mul3A_1 = arith.constant 640 : i32
    %mul3A_2 = arith.muli %arg1, %mul3A_1 : i32
    %mul3A_3 = arith.constant 10240 : i32
    %mul3A_4 = arith.muli %add3A, %mul3A_3 : i32
    %add3A_5 = arith.constant 0 : i32
    %add3A_6 = arith.addi %mul3A_4, %add3A_5 : i32
    %dma_start3A = tpu.memref_slice %arg2[%add3A_6] : memref<327680xi32, #tpu.memory_space<hbm>> -> memref<256xi32, #tpu.memory_space<hbm>>
    %dma_start3A_7 = tpu.memref_slice %arg2[%add3A_6] : memref<327680xi32, #tpu.memory_space<hbm>> -> memref<256xi32, #tpu.memory_space<hbm>>
    tpu.enqueue_dma source(%dma_start3A_7 : memref<256xi32, #tpu.memory_space<hbm>>) target(%arg6 : memref<256xi32, #tpu.memory_space<vmem>>) target_semaphore(%arg10 : memref<!tpu.dma_semaphore, #tpu.memory_space<semaphore_mem>>)
    %add3A_8 = arith.constant 256 : i32
    %add3A_9 = arith.addi %mul3A_4, %add3A_8 : i32
    %dma_start3A_10 = tpu.memref_slice %arg2[%add3A_9] : memref<327680xi32, #tpu.memory_space<hbm>> -> memref<256xi32, #tpu.memory_space<hbm>>
    %dma_start3A_11 = tpu.memref_slice %arg2[%add3A_9] : memref<327680xi32, #tpu.memory_space<hbm>> -> memref<256xi32, #tpu.memory_space<hbm>>
    tpu.enqueue_dma source(%dma_start3A_11 : memref<256xi32, #tpu.memory_space<hbm>>) target(%arg7 : memref<256xi32, #tpu.memory_space<vmem>>) target_semaphore(%arg11 : memref<!tpu.dma_semaphore, #tpu.memory_space<semaphore_mem>>)
    "tpu.region"() ({
      %run_scoped3A = tpu.sem_alloc : memref<!tpu.dma_semaphore, #tpu.memory_space<semaphore_mem>>
      tpu.enqueue_dma source(%arg3 : memref<256x128xf32, #tpu.memory_space<hbm>>) target(%arg8 : memref<256x128xf32, #tpu.memory_space<vmem>>) target_semaphore(%run_scoped3A : memref<!tpu.dma_semaphore, #tpu.memory_space<semaphore_mem>>)
      tpu.wait_dma2 semaphore(%run_scoped3A : memref<!tpu.dma_semaphore, #tpu.memory_space<semaphore_mem>>) src(%arg3 : memref<256x128xf32, #tpu.memory_space<hbm>>) dst(%arg8 : memref<256x128xf32, #tpu.memory_space<vmem>>)
      tpu.yield
    }) : () -> ()
    "tpu.region"() ({
      %run_scoped3A = tpu.sem_alloc : memref<!tpu.dma_semaphore, #tpu.memory_space<semaphore_mem>>
      %dma_start3A_23 = arith.constant 0 : i32
      %dma_start3A_24 = tpu.memref_slice %arg9[%mul3A_2, %dma_start3A_23] : memref<10240x128xf32, #tpu.memory_space<vmem_shared>> -> memref<640x128xf32, #tpu.memory_space<vmem_shared>>
      tpu.enqueue_dma source(%arg4 : memref<640x128xf32, #tpu.memory_space<hbm>>) target(%dma_start3A_24 : memref<640x128xf32, #tpu.memory_space<vmem_shared>>) target_semaphore(%run_scoped3A : memref<!tpu.dma_semaphore, #tpu.memory_space<semaphore_mem>>)
      %dma_wait3A_25 = arith.constant 0 : i32
      %dma_wait3A_26 = tpu.memref_slice %arg9[%mul3A_2, %dma_wait3A_25] : memref<10240x128xf32, #tpu.memory_space<vmem_shared>> -> memref<640x128xf32, #tpu.memory_space<vmem_shared>>
      tpu.wait_dma2 semaphore(%run_scoped3A : memref<!tpu.dma_semaphore, #tpu.memory_space<semaphore_mem>>) src(%arg4 : memref<640x128xf32, #tpu.memory_space<hbm>>) dst(%dma_wait3A_26 : memref<640x128xf32, #tpu.memory_space<vmem_shared>>)
      tpu.yield
    }) : () -> ()
    %barrier3A = arith.constant 0 : index
    tpu.barrier barrier_id(%barrier3A)
    %scan3A = arith.constant 0 : i32
    %scan3A_12 = arith.constant 20 : i32
    %scan3A_13 = arith.addi %scan3A, %scan3A_12 : i32
    %scan3A_14 = arith.constant 1 : i32
    scf.for %scan3A_23 = %scan3A to %scan3A_13 step %scan3A_14  : i32 {
      %mul3A_24 = arith.constant 1 : i32
      %mul3A_25 = arith.muli %scan3A_23, %mul3A_24 : i32
      %add3A_26 = arith.constant 0 : i32
      %add3A_27 = arith.addi %add3A_26, %mul3A_25 : i32
      %mul3A_28 = arith.constant 2 : i32
      %mul3A_29 = arith.muli %add3A_27, %mul3A_28 : i32
      %dma_wait3A_30 = tpu.memref_slice %arg2[%mul3A_4] : memref<327680xi32, #tpu.memory_space<hbm>> -> memref<256xi32, #tpu.memory_space<hbm>>
      %dma_wait3A_31 = tpu.memref_slice %arg2[%mul3A_4] : memref<327680xi32, #tpu.memory_space<hbm>> -> memref<256xi32, #tpu.memory_space<hbm>>
      tpu.wait_dma2 semaphore(%arg10 : memref<!tpu.dma_semaphore, #tpu.memory_space<semaphore_mem>>) src(%dma_wait3A_31 : memref<256xi32, #tpu.memory_space<hbm>>) dst(%arg6 : memref<256xi32, #tpu.memory_space<vmem>>)
      %dma_start3A_32 = arith.constant 0 : i32
      %dma_start3A_33 = arith.constant 0 : i32
      %dma_start3A_34 = tpu.memref_slice %arg9[%dma_start3A_32, %dma_start3A_33] : memref<10240x128xf32, #tpu.memory_space<vmem_shared>> -> memref<10240x128xf32, #tpu.memory_space<vmem_shared>>
      tpu.enqueue_indirect_dma source(%arg8 : memref<256x128xf32, #tpu.memory_space<vmem>>) target(%dma_start3A_34 : memref<10240x128xf32, #tpu.memory_space<vmem_shared>>) offsets(%arg6 : memref<256xi32, #tpu.memory_space<vmem>>) semaphore(%arg12 : memref<!tpu.dma_semaphore, #tpu.memory_space<semaphore_mem>>) {add = true}
      %dma_wait3A_35 = tpu.memref_slice %arg2[%mul3A_4] : memref<327680xi32, #tpu.memory_space<hbm>> -> memref<256xi32, #tpu.memory_space<hbm>>
      %dma_wait3A_36 = tpu.memref_slice %arg2[%mul3A_4] : memref<327680xi32, #tpu.memory_space<hbm>> -> memref<256xi32, #tpu.memory_space<hbm>>
      tpu.wait_dma2 semaphore(%arg11 : memref<!tpu.dma_semaphore, #tpu.memory_space<semaphore_mem>>) src(%dma_wait3A_36 : memref<256xi32, #tpu.memory_space<hbm>>) dst(%arg7 : memref<256xi32, #tpu.memory_space<vmem>>)
      %dma_start3A_37 = arith.constant 0 : i32
      %dma_start3A_38 = arith.constant 0 : i32
      %dma_start3A_39 = tpu.memref_slice %arg9[%dma_start3A_37, %dma_start3A_38] : memref<10240x128xf32, #tpu.memory_space<vmem_shared>> -> memref<10240x128xf32, #tpu.memory_space<vmem_shared>>
      tpu.enqueue_indirect_dma source(%arg8 : memref<256x128xf32, #tpu.memory_space<vmem>>) target(%dma_start3A_39 : memref<10240x128xf32, #tpu.memory_space<vmem_shared>>) offsets(%arg7 : memref<256xi32, #tpu.memory_space<vmem>>) semaphore(%arg13 : memref<!tpu.dma_semaphore, #tpu.memory_space<semaphore_mem>>) {add = true}
      %dma_wait3A_40 = arith.constant 0 : i32
      %dma_wait3A_41 = arith.constant 0 : i32
      %dma_wait3A_42 = tpu.memref_slice %arg9[%dma_wait3A_40, %dma_wait3A_41] : memref<10240x128xf32, #tpu.memory_space<vmem_shared>> -> memref<10240x128xf32, #tpu.memory_space<vmem_shared>>
      tpu.wait_indirect_dma semaphore(%arg12 : memref<!tpu.dma_semaphore, #tpu.memory_space<semaphore_mem>>) src(%arg8 : memref<256x128xf32, #tpu.memory_space<vmem>>) dst(%dma_wait3A_42 : memref<10240x128xf32, #tpu.memory_space<vmem_shared>>)
      %add3A_43 = arith.constant 2 : i32
      %add3A_44 = arith.addi %mul3A_29, %add3A_43 : i32
      %add3A_45 = arith.constant 0 : i32
      %add3A_46 = arith.addi %add3A_44, %add3A_45 : i32
      %min3A = arith.constant 39 : i32
      %min3A_47 = arith.minsi %add3A_46, %min3A : i32
      %mul3A_48 = arith.constant 256 : i32
      %mul3A_49 = arith.muli %min3A_47, %mul3A_48 : i32
      %add3A_50 = arith.addi %mul3A_4, %mul3A_49 : i32
      %dma_start3A_51 = tpu.memref_slice %arg2[%add3A_50] : memref<327680xi32, #tpu.memory_space<hbm>> -> memref<256xi32, #tpu.memory_space<hbm>>
      %dma_start3A_52 = tpu.memref_slice %arg2[%add3A_50] : memref<327680xi32, #tpu.memory_space<hbm>> -> memref<256xi32, #tpu.memory_space<hbm>>
      tpu.enqueue_dma source(%dma_start3A_52 : memref<256xi32, #tpu.memory_space<hbm>>) target(%arg6 : memref<256xi32, #tpu.memory_space<vmem>>) target_semaphore(%arg10 : memref<!tpu.dma_semaphore, #tpu.memory_space<semaphore_mem>>)
      %dma_wait3A_53 = arith.constant 0 : i32
      %dma_wait3A_54 = arith.constant 0 : i32
      %dma_wait3A_55 = tpu.memref_slice %arg9[%dma_wait3A_53, %dma_wait3A_54] : memref<10240x128xf32, #tpu.memory_space<vmem_shared>> -> memref<10240x128xf32, #tpu.memory_space<vmem_shared>>
      tpu.wait_indirect_dma semaphore(%arg13 : memref<!tpu.dma_semaphore, #tpu.memory_space<semaphore_mem>>) src(%arg8 : memref<256x128xf32, #tpu.memory_space<vmem>>) dst(%dma_wait3A_55 : memref<10240x128xf32, #tpu.memory_space<vmem_shared>>)
      %add3A_56 = arith.constant 2 : i32
      %add3A_57 = arith.addi %mul3A_29, %add3A_56 : i32
      %add3A_58 = arith.constant 1 : i32
      %add3A_59 = arith.addi %add3A_57, %add3A_58 : i32
      %min3A_60 = arith.constant 39 : i32
      %min3A_61 = arith.minsi %add3A_59, %min3A_60 : i32
      %mul3A_62 = arith.constant 256 : i32
      %mul3A_63 = arith.muli %min3A_61, %mul3A_62 : i32
      %add3A_64 = arith.addi %mul3A_4, %mul3A_63 : i32
      %dma_start3A_65 = tpu.memref_slice %arg2[%add3A_64] : memref<327680xi32, #tpu.memory_space<hbm>> -> memref<256xi32, #tpu.memory_space<hbm>>
      %dma_start3A_66 = tpu.memref_slice %arg2[%add3A_64] : memref<327680xi32, #tpu.memory_space<hbm>> -> memref<256xi32, #tpu.memory_space<hbm>>
      tpu.enqueue_dma source(%dma_start3A_66 : memref<256xi32, #tpu.memory_space<hbm>>) target(%arg7 : memref<256xi32, #tpu.memory_space<vmem>>) target_semaphore(%arg11 : memref<!tpu.dma_semaphore, #tpu.memory_space<semaphore_mem>>)
    }
    %scan3A_15 = arith.constant 20 : i32
    %dma_wait3A = tpu.memref_slice %arg2[%mul3A_4] : memref<327680xi32, #tpu.memory_space<hbm>> -> memref<256xi32, #tpu.memory_space<hbm>>
    %dma_wait3A_16 = tpu.memref_slice %arg2[%mul3A_4] : memref<327680xi32, #tpu.memory_space<hbm>> -> memref<256xi32, #tpu.memory_space<hbm>>
    tpu.wait_dma2 semaphore(%arg10 : memref<!tpu.dma_semaphore, #tpu.memory_space<semaphore_mem>>) src(%dma_wait3A_16 : memref<256xi32, #tpu.memory_space<hbm>>) dst(%arg6 : memref<256xi32, #tpu.memory_space<vmem>>)
    %dma_wait3A_17 = tpu.memref_slice %arg2[%mul3A_4] : memref<327680xi32, #tpu.memory_space<hbm>> -> memref<256xi32, #tpu.memory_space<hbm>>
    %dma_wait3A_18 = tpu.memref_slice %arg2[%mul3A_4] : memref<327680xi32, #tpu.memory_space<hbm>> -> memref<256xi32, #tpu.memory_space<hbm>>
    tpu.wait_dma2 semaphore(%arg11 : memref<!tpu.dma_semaphore, #tpu.memory_space<semaphore_mem>>) src(%dma_wait3A_18 : memref<256xi32, #tpu.memory_space<hbm>>) dst(%arg7 : memref<256xi32, #tpu.memory_space<vmem>>)
    %barrier3A_19 = arith.constant 0 : index
    tpu.barrier barrier_id(%barrier3A_19)
    %mul3A_20 = arith.constant 10240 : i32
    %mul3A_21 = arith.muli %arg0, %mul3A_20 : i32
    %add3A_22 = arith.addi %mul3A_21, %mul3A_2 : i32
    "tpu.region"() ({
      %run_scoped3A = tpu.sem_alloc : memref<!tpu.dma_semaphore, #tpu.memory_space<semaphore_mem>>
      %dma_start3A_23 = arith.constant 0 : i32
      %dma_start3A_24 = tpu.memref_slice %arg5[%add3A_22, %dma_start3A_23] : memref<20480x128xf32, #tpu.memory_space<hbm>> -> memref<640x128xf32, #tpu.memory_space<hbm>>
      %dma_start3A_25 = arith.constant 0 : i32
      %dma_start3A_26 = tpu.memref_slice %arg9[%mul3A_2, %dma_start3A_25] : memref<10240x128xf32, #tpu.memory_space<vmem_shared>> -> memref<640x128xf32, #tpu.memory_space<vmem_shared>>
      tpu.enqueue_dma source(%dma_start3A_26 : memref<640x128xf32, #tpu.memory_space<vmem_shared>>) target(%dma_start3A_24 : memref<640x128xf32, #tpu.memory_space<hbm>>) target_semaphore(%run_scoped3A : memref<!tpu.dma_semaphore, #tpu.memory_space<semaphore_mem>>)
      %dma_wait3A_27 = arith.constant 0 : i32
      %dma_wait3A_28 = tpu.memref_slice %arg5[%add3A_22, %dma_wait3A_27] : memref<20480x128xf32, #tpu.memory_space<hbm>> -> memref<640x128xf32, #tpu.memory_space<hbm>>
      %dma_wait3A_29 = arith.constant 0 : i32
      %dma_wait3A_30 = tpu.memref_slice %arg9[%mul3A_2, %dma_wait3A_29] : memref<10240x128xf32, #tpu.memory_space<vmem_shared>> -> memref<640x128xf32, #tpu.memory_space<vmem_shared>>
      tpu.wait_dma2 semaphore(%run_scoped3A : memref<!tpu.dma_semaphore, #tpu.memory_space<semaphore_mem>>) src(%dma_wait3A_30 : memref<640x128xf32, #tpu.memory_space<vmem_shared>>) dst(%dma_wait3A_28 : memref<640x128xf32, #tpu.memory_space<hbm>>)
      tpu.yield
    }) : () -> ()
    return
  }
}

module attributes {stable_mosaic.version = 14 : i64} {
  func.func @mm_kernel(%arg0: i32, %arg1: memref<1024x128xf32, #tpu.memory_space<vmem>>, %arg2: memref<128x128xf32, #tpu.memory_space<vmem>>, %arg3: memref<1024x128xf32, #tpu.memory_space<vmem>>) attributes {dimension_semantics = [#tpu.dimension_semantics<arbitrary>], iteration_bounds = array<i64: 10>, scalar_prefetch = 0 : i64, scratch_operands = 0 : i64, tpu.core_type = #tpu.core_type<tc>, window_params = [{transform_indices = @transform_0, window_bounds = array<i64: 1024, 128>}, {pipeline_mode = #tpu.pipeline_mode<synchronous>, transform_indices = @transform_1, window_bounds = array<i64: 128, 128>}, {transform_indices = @transform_2, window_bounds = array<i64: 1024, 128>}]} {
    %get3A = arith.constant 0 : index
    %get3A_0 = arith.constant 0 : index
    %get3A_1 = vector.load %arg1[%get3A, %get3A_0] : memref<1024x128xf32, #tpu.memory_space<vmem>>, vector<1024x128xf32>
    %get3A_2 = arith.constant 0 : index
    %get3A_3 = arith.constant 0 : index
    %get3A_4 = vector.load %arg2[%get3A_2, %get3A_3] : memref<128x128xf32, #tpu.memory_space<vmem>>, vector<128x128xf32>
    %dot_general3A = arith.constant dense<0.000000e+00> : vector<1024x128xf32>
    %dot_general3A_5 = tpu.matmul %get3A_1, %get3A_4, %dot_general3A {dimension_numbers = #tpu.dot_dimension_numbers<[1], [0], [0], [1], [0, 0, 1, 1], [], []>, transpose_lhs_hint = false} : vector<1024x128xf32>, vector<128x128xf32>, vector<1024x128xf32> -> vector<1024x128xf32>
    %swap3A = arith.constant 0 : index
    %swap3A_6 = arith.constant 0 : index
    %swap3A_7 = vector.load %arg3[%swap3A, %swap3A_6] : memref<1024x128xf32, #tpu.memory_space<vmem>>, vector<1024x128xf32>
    tpu.vector_store %arg3[%swap3A, %swap3A_6], %dot_general3A_5 {strides = array<i32>} : memref<1024x128xf32, #tpu.memory_space<vmem>>, vector<1024x128xf32>,
    return
  }
  func.func @transform_0(%arg0: i32) -> (i32, i32) {
    %c0_i32 = arith.constant 0 : i32
    %c0_i32_0 = arith.constant 0 : i32
    return %arg0, %c0_i32 : i32, i32
  }
  func.func @transform_1(%arg0: i32) -> (i32, i32) {
    %c0_i32 = arith.constant 0 : i32
    %c0_i32_0 = arith.constant 0 : i32
    %c0_i32_1 = arith.constant 0 : i32
    return %c0_i32, %c0_i32_0 : i32, i32
  }
  func.func @transform_2(%arg0: i32) -> (i32, i32) {
    %c0_i32 = arith.constant 0 : i32
    %c0_i32_0 = arith.constant 0 : i32
    return %arg0, %c0_i32 : i32, i32
  }
}

module attributes {stable_mosaic.version = 14 : i64} {
  func.func @scale_kernel(%arg0: i32, %arg1: memref<1024x128xf32, #tpu.memory_space<vmem>>, %arg2: memref<1024x128xf32, #tpu.memory_space<vmem>>, %arg3: memref<1024x128xf32, #tpu.memory_space<vmem>>, %arg4: memref<1024x128xf32, #tpu.memory_space<vmem>>) attributes {dimension_semantics = [#tpu.dimension_semantics<arbitrary>], iteration_bounds = array<i64: 10>, scalar_prefetch = 0 : i64, scratch_operands = 0 : i64, tpu.core_type = #tpu.core_type<tc>, window_params = [{transform_indices = @transform_0, window_bounds = array<i64: 1024, 128>}, {transform_indices = @transform_1, window_bounds = array<i64: 1024, 128>}, {transform_indices = @transform_2, window_bounds = array<i64: 1024, 128>}, {transform_indices = @transform_3, window_bounds = array<i64: 1024, 128>}]} {
    %get3A = arith.constant 0 : index
    %get3A_0 = arith.constant 0 : index
    %get3A_1 = vector.load %arg1[%get3A, %get3A_0] : memref<1024x128xf32, #tpu.memory_space<vmem>>, vector<1024x128xf32>
    %get3A_2 = arith.constant 0 : index
    %get3A_3 = arith.constant 0 : index
    %get3A_4 = vector.load %arg2[%get3A_2, %get3A_3] : memref<1024x128xf32, #tpu.memory_space<vmem>>, vector<1024x1xf32>
    %get3A_5 = arith.constant 0 : index
    %get3A_6 = arith.constant 0 : index
    %get3A_7 = vector.load %arg3[%get3A_5, %get3A_6] : memref<1024x128xf32, #tpu.memory_space<vmem>>, vector<1024x1xf32>
    %add3A = arith.addf %get3A_4, %get3A_7 : vector<1024x1xf32>
    %add3A_8 = arith.constant 1.000000e+00 : f32
    %add3A_9 = vector.broadcast %add3A_8 : f32 to vector<1024x1xf32>
    %add3A_10 = arith.addf %add3A, %add3A_9 : vector<1024x1xf32>
    %rsqrt3A = math.rsqrt %add3A_10 : vector<1024x1xf32>
    %mul3A = vector.broadcast %rsqrt3A : vector<1024x1xf32> to vector<1024x128xf32>
    %mul3A_11 = arith.mulf %get3A_1, %mul3A : vector<1024x128xf32>
    %swap3A = arith.constant 0 : index
    %swap3A_12 = arith.constant 0 : index
    %swap3A_13 = vector.load %arg4[%swap3A, %swap3A_12] : memref<1024x128xf32, #tpu.memory_space<vmem>>, vector<1024x128xf32>
    tpu.vector_store %arg4[%swap3A, %swap3A_12], %mul3A_11 {strides = array<i32>} : memref<1024x128xf32, #tpu.memory_space<vmem>>, vector<1024x128xf32>,
    return
  }
  func.func @transform_0(%arg0: i32) -> (i32, i32) {
    %c0_i32 = arith.constant 0 : i32
    %c0_i32_0 = arith.constant 0 : i32
    return %arg0, %c0_i32 : i32, i32
  }
  func.func @transform_1(%arg0: i32) -> (i32, i32) {
    %c0_i32 = arith.constant 0 : i32
    %c0_i32_0 = arith.constant 0 : i32
    return %arg0, %c0_i32 : i32, i32
  }
  func.func @transform_2(%arg0: i32) -> (i32, i32) {
    %c0_i32 = arith.constant 0 : i32
    %c0_i32_0 = arith.constant 0 : i32
    return %arg0, %c0_i32 : i32, i32
  }
  func.func @transform_3(%arg0: i32) -> (i32, i32) {
    %c0_i32 = arith.constant 0 : i32
    %c0_i32_0 = arith.constant 0 : i32
    return %arg0, %c0_i32 : i32, i32
  }
}

module attributes {stable_mosaic.version = 14 : i64} {
  func.func @comb_kernel(%arg0: i32, %arg1: memref<1024x128xf32, #tpu.memory_space<vmem>>, %arg2: memref<1024x128xf32, #tpu.memory_space<vmem>>, %arg3: memref<1024x128xf32, #tpu.memory_space<vmem>>, %arg4: memref<1024x128xf32, #tpu.memory_space<vmem>>, %arg5: memref<1024x128xf32, #tpu.memory_space<vmem>>, %arg6: memref<1x128xf32, #tpu.memory_space<vmem>>, %arg7: memref<128x128xf32, #tpu.memory_space<vmem>>, %arg8: memref<1024x128xf32, #tpu.memory_space<vmem>>) attributes {dimension_semantics = [#tpu.dimension_semantics<arbitrary>], iteration_bounds = array<i64: 10>, scalar_prefetch = 0 : i64, scratch_operands = 0 : i64, tpu.core_type = #tpu.core_type<tc>, window_params = [{transform_indices = @transform_0, window_bounds = array<i64: 1024, 128>}, {transform_indices = @transform_1, window_bounds = array<i64: 1024, 128>}, {transform_indices = @transform_2, window_bounds = array<i64: 1024, 128>}, {transform_indices = @transform_3, window_bounds = array<i64: 1024, 128>}, {transform_indices = @transform_4, window_bounds = array<i64: 1024, 128>}, {pipeline_mode = #tpu.pipeline_mode<synchronous>, transform_indices = @transform_5, window_bounds = array<i64: 1, 128>}, {pipeline_mode = #tpu.pipeline_mode<synchronous>, transform_indices = @transform_6, window_bounds = array<i64: 128, 128>}, {transform_indices = @transform_7, window_bounds = array<i64: 1024, 128>}]} {
    %get3A = arith.constant 0 : index
    %get3A_0 = arith.constant 0 : index
    %get3A_1 = vector.load %arg4[%get3A, %get3A_0] : memref<1024x128xf32, #tpu.memory_space<vmem>>, vector<1024x1xf32>
    %get3A_2 = arith.constant 0 : index
    %get3A_3 = arith.constant 0 : index
    %get3A_4 = vector.load %arg5[%get3A_2, %get3A_3] : memref<1024x128xf32, #tpu.memory_space<vmem>>, vector<1024x1xf32>
    %add3A = arith.addf %get3A_1, %get3A_4 : vector<1024x1xf32>
    %add3A_5 = arith.constant 1.000000e+00 : f32
    %add3A_6 = vector.broadcast %add3A_5 : f32 to vector<1024x1xf32>
    %add3A_7 = arith.addf %add3A, %add3A_6 : vector<1024x1xf32>
    %rsqrt3A = math.rsqrt %add3A_7 : vector<1024x1xf32>
    %get3A_8 = arith.constant 0 : index
    %get3A_9 = arith.constant 0 : index
    %get3A_10 = vector.load %arg1[%get3A_8, %get3A_9] : memref<1024x128xf32, #tpu.memory_space<vmem>>, vector<1024x128xf32>
    %get3A_11 = arith.constant 0 : index
    %get3A_12 = arith.constant 0 : index
    %get3A_13 = vector.load %arg2[%get3A_11, %get3A_12] : memref<1024x128xf32, #tpu.memory_space<vmem>>, vector<1024x128xf32>
    %add3A_14 = arith.addf %get3A_10, %get3A_13 : vector<1024x128xf32>
    %get3A_15 = arith.constant 0 : index
    %get3A_16 = arith.constant 0 : index
    %get3A_17 = vector.load %arg3[%get3A_15, %get3A_16] : memref<1024x128xf32, #tpu.memory_space<vmem>>, vector<1024x128xf32>
    %add3A_18 = arith.addf %add3A_14, %get3A_17 : vector<1024x128xf32>
    %mul3A = vector.broadcast %rsqrt3A : vector<1024x1xf32> to vector<1024x128xf32>
    %mul3A_19 = arith.mulf %mul3A, %add3A_18 : vector<1024x128xf32>
    %get3A_20 = arith.constant 0 : index
    %get3A_21 = arith.constant 0 : index
    %get3A_22 = vector.load %arg6[%get3A_20, %get3A_21] : memref<1x128xf32, #tpu.memory_space<vmem>>, vector<1x128xf32>
    %add3A_23 = vector.broadcast %get3A_22 : vector<1x128xf32> to vector<1024x128xf32>
    %add3A_24 = arith.addf %mul3A_19, %add3A_23 : vector<1024x128xf32>
    %max3A = arith.constant 0.000000e+00 : f32
    %max3A_25 = vector.broadcast %max3A : f32 to vector<1024x128xf32>
    %max3A_26 = arith.maximumf %add3A_24, %max3A_25 : vector<1024x128xf32>
    %get3A_27 = arith.constant 0 : index
    %get3A_28 = arith.constant 0 : index
    %get3A_29 = vector.load %arg7[%get3A_27, %get3A_28] : memref<128x128xf32, #tpu.memory_space<vmem>>, vector<128x128xf32>
    %dot_general3A = arith.constant dense<0.000000e+00> : vector<1024x128xf32>
    %dot_general3A_30 = tpu.matmul %max3A_26, %get3A_29, %dot_general3A {dimension_numbers = #tpu.dot_dimension_numbers<[1], [0], [0], [1], [0, 0, 1, 1], [], []>, transpose_lhs_hint = false} : vector<1024x128xf32>, vector<128x128xf32>, vector<1024x128xf32> -> vector<1024x128xf32>
    %mul3A_31 = vector.broadcast %rsqrt3A : vector<1024x1xf32> to vector<1024x128xf32>
    %mul3A_32 = arith.mulf %dot_general3A_30, %mul3A_31 : vector<1024x128xf32>
    %swap3A = arith.constant 0 : index
    %swap3A_33 = arith.constant 0 : index
    %swap3A_34 = vector.load %arg8[%swap3A, %swap3A_33] : memref<1024x128xf32, #tpu.memory_space<vmem>>, vector<1024x128xf32>
    tpu.vector_store %arg8[%swap3A, %swap3A_33], %mul3A_32 {strides = array<i32>} : memref<1024x128xf32, #tpu.memory_space<vmem>>, vector<1024x128xf32>,
    return
  }
  func.func @transform_0(%arg0: i32) -> (i32, i32) {
    %c0_i32 = arith.constant 0 : i32
    %c0_i32_0 = arith.constant 0 : i32
    return %arg0, %c0_i32 : i32, i32
  }
  func.func @transform_1(%arg0: i32) -> (i32, i32) {
    %c0_i32 = arith.constant 0 : i32
    %c0_i32_0 = arith.constant 0 : i32
    return %arg0, %c0_i32 : i32, i32
  }
  func.func @transform_2(%arg0: i32) -> (i32, i32) {
    %c0_i32 = arith.constant 0 : i32
    %c0_i32_0 = arith.constant 0 : i32
    return %arg0, %c0_i32 : i32, i32
  }
  func.func @transform_3(%arg0: i32) -> (i32, i32) {
    %c0_i32 = arith.constant 0 : i32
    %c0_i32_0 = arith.constant 0 : i32
    return %arg0, %c0_i32 : i32, i32
  }
  func.func @transform_4(%arg0: i32) -> (i32, i32) {
    %c0_i32 = arith.constant 0 : i32
    %c0_i32_0 = arith.constant 0 : i32
    return %arg0, %c0_i32 : i32, i32
  }
  func.func @transform_5(%arg0: i32) -> (i32, i32) {
    %c0_i32 = arith.constant 0 : i32
    %c0_i32_0 = arith.constant 0 : i32
    %c0_i32_1 = arith.constant 0 : i32
    return %c0_i32, %c0_i32_0 : i32, i32
  }
  func.func @transform_6(%arg0: i32) -> (i32, i32) {
    %c0_i32 = arith.constant 0 : i32
    %c0_i32_0 = arith.constant 0 : i32
    %c0_i32_1 = arith.constant 0 : i32
    return %c0_i32, %c0_i32_0 : i32, i32
  }
  func.func @transform_7(%arg0: i32) -> (i32, i32) {
    %c0_i32 = arith.constant 0 : i32
    %c0_i32_0 = arith.constant 0 : i32
    return %arg0, %c0_i32 : i32, i32
  }
}

module attributes {stable_mosaic.version = 14 : i64} {
  func.func @fin_kernel(%arg0: i32, %arg1: memref<2000x128xf32, #tpu.memory_space<vmem>>, %arg2: memref<2000x128xf32, #tpu.memory_space<vmem>>, %arg3: memref<2000x128xf32, #tpu.memory_space<vmem>>, %arg4: memref<2000x128xf32, #tpu.memory_space<vmem>>, %arg5: memref<2000x128xf32, #tpu.memory_space<vmem>>, %arg6: memref<1x128xf32, #tpu.memory_space<vmem>>, %arg7: memref<2000x128xf32, #tpu.memory_space<vmem>>) attributes {dimension_semantics = [#tpu.dimension_semantics<arbitrary>], iteration_bounds = array<i64: 5>, scalar_prefetch = 0 : i64, scratch_operands = 0 : i64, tpu.core_type = #tpu.core_type<tc>, window_params = [{transform_indices = @transform_0, window_bounds = array<i64: 2000, 128>}, {transform_indices = @transform_1, window_bounds = array<i64: 2000, 128>}, {transform_indices = @transform_2, window_bounds = array<i64: 2000, 128>}, {transform_indices = @transform_3, window_bounds = array<i64: 2000, 128>}, {transform_indices = @transform_4, window_bounds = array<i64: 2000, 128>}, {pipeline_mode = #tpu.pipeline_mode<synchronous>, transform_indices = @transform_5, window_bounds = array<i64: 1, 128>}, {transform_indices = @transform_6, window_bounds = array<i64: 2000, 128>}]} {
    %get3A = arith.constant 0 : index
    %get3A_0 = arith.constant 0 : index
    %get3A_1 = vector.load %arg4[%get3A, %get3A_0] : memref<2000x128xf32, #tpu.memory_space<vmem>>, vector<2000x1xf32>
    %get3A_2 = arith.constant 0 : index
    %get3A_3 = arith.constant 0 : index
    %get3A_4 = vector.load %arg5[%get3A_2, %get3A_3] : memref<2000x128xf32, #tpu.memory_space<vmem>>, vector<2000x1xf32>
    %add3A = arith.addf %get3A_1, %get3A_4 : vector<2000x1xf32>
    %add3A_5 = arith.constant 1.000000e+00 : f32
    %add3A_6 = vector.broadcast %add3A_5 : f32 to vector<2000x1xf32>
    %add3A_7 = arith.addf %add3A, %add3A_6 : vector<2000x1xf32>
    %rsqrt3A = math.rsqrt %add3A_7 : vector<2000x1xf32>
    %get3A_8 = arith.constant 0 : index
    %get3A_9 = arith.constant 0 : index
    %get3A_10 = vector.load %arg1[%get3A_8, %get3A_9] : memref<2000x128xf32, #tpu.memory_space<vmem>>, vector<2000x128xf32>
    %get3A_11 = arith.constant 0 : index
    %get3A_12 = arith.constant 0 : index
    %get3A_13 = vector.load %arg2[%get3A_11, %get3A_12] : memref<2000x128xf32, #tpu.memory_space<vmem>>, vector<2000x128xf32>
    %add3A_14 = arith.addf %get3A_10, %get3A_13 : vector<2000x128xf32>
    %get3A_15 = arith.constant 0 : index
    %get3A_16 = arith.constant 0 : index
    %get3A_17 = vector.load %arg3[%get3A_15, %get3A_16] : memref<2000x128xf32, #tpu.memory_space<vmem>>, vector<2000x128xf32>
    %add3A_18 = arith.addf %add3A_14, %get3A_17 : vector<2000x128xf32>
    %mul3A = vector.broadcast %rsqrt3A : vector<2000x1xf32> to vector<2000x128xf32>
    %mul3A_19 = arith.mulf %mul3A, %add3A_18 : vector<2000x128xf32>
    %get3A_20 = arith.constant 0 : index
    %get3A_21 = arith.constant 0 : index
    %get3A_22 = vector.load %arg6[%get3A_20, %get3A_21] : memref<1x128xf32, #tpu.memory_space<vmem>>, vector<1x128xf32>
    %add3A_23 = vector.broadcast %get3A_22 : vector<1x128xf32> to vector<2000x128xf32>
    %add3A_24 = arith.addf %mul3A_19, %add3A_23 : vector<2000x128xf32>
    %max3A = arith.constant 0.000000e+00 : f32
    %max3A_25 = vector.broadcast %max3A : f32 to vector<2000x128xf32>
    %max3A_26 = arith.maximumf %add3A_24, %max3A_25 : vector<2000x128xf32>
    %swap3A = arith.constant 0 : index
    %swap3A_27 = arith.constant 0 : index
    %swap3A_28 = vector.load %arg7[%swap3A, %swap3A_27] : memref<2000x128xf32, #tpu.memory_space<vmem>>, vector<2000x128xf32>
    tpu.vector_store %arg7[%swap3A, %swap3A_27], %max3A_26 {strides = array<i32>} : memref<2000x128xf32, #tpu.memory_space<vmem>>, vector<2000x128xf32>,
    return
  }
  func.func @transform_0(%arg0: i32) -> (i32, i32) {
    %c0_i32 = arith.constant 0 : i32
    %c0_i32_0 = arith.constant 0 : i32
    return %arg0, %c0_i32 : i32, i32
  }
  func.func @transform_1(%arg0: i32) -> (i32, i32) {
    %c0_i32 = arith.constant 0 : i32
    %c0_i32_0 = arith.constant 0 : i32
    return %arg0, %c0_i32 : i32, i32
  }
  func.func @transform_2(%arg0: i32) -> (i32, i32) {
    %c0_i32 = arith.constant 0 : i32
    %c0_i32_0 = arith.constant 0 : i32
    return %arg0, %c0_i32 : i32, i32
  }
  func.func @transform_3(%arg0: i32) -> (i32, i32) {
    %c0_i32 = arith.constant 0 : i32
    %c0_i32_0 = arith.constant 0 : i32
    return %arg0, %c0_i32 : i32, i32
  }
  func.func @transform_4(%arg0: i32) -> (i32, i32) {
    %c0_i32 = arith.constant 0 : i32
    %c0_i32_0 = arith.constant 0 : i32
    return %arg0, %c0_i32 : i32, i32
  }
  func.func @transform_5(%arg0: i32) -> (i32, i32) {
    %c0_i32 = arith.constant 0 : i32
    %c0_i32_0 = arith.constant 0 : i32
    %c0_i32_1 = arith.constant 0 : i32
    return %c0_i32, %c0_i32_0 : i32, i32
  }
  func.func @transform_6(%arg0: i32) -> (i32, i32) {
    %c0_i32 = arith.constant 0 : i32
    %c0_i32_0 = arith.constant 0 : i32
    return %arg0, %c0_i32 : i32, i32
  }
}

</mosaic_0001>

<sc_bundles>
// kernel: kernel.12.cloned.1.call-start
scs
__scs_entry_jumppad:
0x0: {  	(pc) =	sbr.rel $0x88, $3  }
0x1: {  	(tag) =	ssettag $0x0;
	lr =	simm.s32 $0x1  }
0x2: {  	[smem:$0x3F9B] =	sst lr;
	_ =	strace $0xD0000000  }
0x3: {  	_ = 	snop  }
0x4: {  	_ = 	snop  }
0x5: {  	_ = 	snop  }
0x6: {  	_ = 	snop  }
0x7: {  	_ = 	snop  }
__scs_overlays_trampoline_lowered:
0x8: {  	[smem:$0x3FAA] =	sst s0  }
0x9: {  	[smem:$0x3FAB] =	sst s1  }
0xa: {  	[smem:$0x3FAC] =	sst s2  }
0xb: {  	[smem:$0x3FAD] =	sst s3  }
0xc: {  	[smem:$0x3FAE] =	sst s4  }
0xd: {  	[smem:$0x3FAF] =	sst s5  }
0xe: {  	[smem:$0x3FB0] =	sst s6  }
0xf: {  	[smem:$0x3FB1] =	sst s7  }
0x10: {  	[smem:$0x3FB2] =	sst s8  }
0x11: {  	[smem:$0x3FB3] =	sst s9;
	s0 =	simm.s32 @!p0 $0x0  }
0x12: {  	s1 =	sld [smem:$0x3F99];
	s0 =	simm.s32 @p0 $0x1  }
0x13: {  	[smem:$0x3FB4] =	sst s0;
	s0 =	simm.s32 @!p1 $0x0  }
0x14: {  	s2 =	sld [smem:$0x3F98];
	s0 =	simm.s32 @p1 $0x1  }
0x15: {  	[smem:$0x3FB5] =	sst s0;
	s0 =	simm.s32 @!p2 $0x0  }
0x16: {  	s3 =	sld [smem:$0x3FDB];
	s0 =	simm.s32 @p2 $0x1  }
0x17: {  	s4 =	simm.s32 $0x1BF5;
	[smem:$0x3FB7] =	sst s0  }
0x18: {  	s0 =	sld [smem:$0x3F9A];
	_ =	swait.ge [sflag:s4], $0x0  }
0x19: {  	s7 =	sld [smem:$0x3F9B]  }
0x1a: {  	s8 =	sadd.s32 $0xFFFFE003, lr  }
0x1b: {  	s9 =	sadd.s32 $0xFFFFFEF7, lr;
	s5 =	simm.s32 $0xFFFFFFFF;
	p2 =	slt.u32 s8, $0xFFFFF086  }
0x1c: {  	p1 =	slt.u32 s9, $0xF7A;
	s5 =	simm.s32 @!p2 $0x0  }
0x1d: {  	s5 =	simm.s32 @p1 $0x1;
	p0 =	seq.s32 s7, s2  }
0x1e: {  	s7 =	smul.u32 @!p0 $0xF7A, s2;
	p2 =	seq.s32 @!p0 s5, $0x0  }
0x1f: {  	s9 =	smul.u32 $0xF7A, s1;
	s8 =	simm.s32 @!p0 $0x1BF5;
	p2 =	por !p2, p0  }
0x20: {  	[sflag:s8] =	ssyncset.s32 @!p0 $0xFFFFF086;
	s6 =	sadd.s32 @!p0 s3, s7;
	s7 =	simm.s32 @!p0 $0x108  }
0x21: {  	s3 =	sadd.s32 s3, s9;
	s6 =	sadd.s32 @!p0 $0x88, s6;
	s7 =	simm.s32 @p2 $0x1082  }
0x22: {  	[simem:s7], [sflag:s8] =	dma.local @!p0 [hbm:s6], $0xF7A  }
0x23: {  	s9 =	sor.u32 $0xD0000000, s2;
	s6 =	simm.s32 $0x108;
	_ =	swait.ge @!p0 [sflag:s8], $0x0  }
0x24: {  	s3 =	sadd.s32 $0x88, s3;
	s6 =	simm.s32 @!p1 $0x1082;
	[sflag:s4] =	ssyncset.s32 $0xFFFFF086  }
0x25: {  	[simem:s6], [sflag:s4] =	dma.local [hbm:s3], $0xF7A  }
0x26: {  	[smem:$0x3F9B] =	sst s1;
	(tag) =	ssettag s2;
	_ =	strace s9  }
0x27: {  	s1 =	sld [smem:$0x3FAB]  }
0x28: {  	s2 =	sld [smem:$0x3FAC]  }
0x29: {  	s4 =	sld [smem:$0x3FAE]  }
0x2a: {  	p0 =	seq.s32 s5, $0x0;
	s5 =	sld [smem:$0x3FAF]  }
0x2b: {  	s6 =	sld [smem:$0x3FB0]  }
0x2c: {  	s7 =	sld [smem:$0x3FB1]  }
0x2d: {  	s3 =	simm.s32 $0x108;
	s8 =	sld [smem:$0x3FB2]  }
0x2e: {  	s3 =	simm.s32 @!p0 $0x1082;
	s9 =	sld [smem:$0x3FB3]  }
0x2f: {  	lr =	sadd.s32 s0, s3;
	s0 =	sld [smem:$0x3FAA]  }
0x30: {  	s3 =	sld [smem:$0x3FAD]  }
0x31: {  	[smem:$0x3FB6] =	sst s10  }
0x32: {  	s10 =	sld [smem:$0x3FB4];
	_ =	sdelay $0x3  }
0x33: {  	p0 =	seq.s32 s10, $0x1;
	s10 =	sld [smem:$0x3FB6];
	_ =	sdelay $0x3  }
0x34: {  	[smem:$0x3FB6] =	sst s10  }
0x35: {  	s10 =	sld [smem:$0x3FB5];
	_ =	sdelay $0x3  }
0x36: {  	p1 =	seq.s32 s10, $0x1;
	s10 =	sld [smem:$0x3FB6];
	_ =	sdelay $0x3  }
0x37: {  	[smem:$0x3FB6] =	sst s10  }
0x38: {  	s10 =	sld [smem:$0x3FB7]  }
0x39: {  	_ = 	snop;
	(pc) =	sbr.ind lr, $3  }
0x3a: {  	_ = 	snop  }
0x3b: {  	_ = 	snop  }
0x3c: {  	p2 =	seq.s32 s10, $0x1;
	s10 =	sld [smem:$0x3FB6]  }
0x3d: {  	_ =	shalt  }
0x3e: {  	_ =	shalt  }
0x3f: {  	_ =	shalt  }
0x40: {  	_ =	shalt  }
0x41: {  	_ =	shalt  }
0x42: {  	_ =	shalt  }
0x43: {  	_ =	shalt  }
0x44: {  	_ =	shalt  }
0x45: {  	_ =	shalt  }
0x46: {  	_ =	shalt  }
0x47: {  	_ =	shalt  }
0x48: {  	_ =	shalt  }
0x49: {  	_ =	shalt  }
0x4a: {  	_ =	shalt  }
0x4b: {  	_ =	shalt  }
0x4c: {  	_ =	shalt  }
0x4d: {  	_ =	shalt  }
0x4e: {  	_ =	shalt  }
0x4f: {  	_ =	shalt  }
0x50: {  	_ =	shalt  }
0x51: {  	_ =	shalt  }
0x52: {  	_ =	shalt  }
0x53: {  	_ =	shalt  }
0x54: {  	_ =	shalt  }
0x55: {  	_ =	shalt  }
0x56: {  	_ =	shalt  }
0x57: {  	_ =	shalt  }
0x58: {  	_ =	shalt  }
0x59: {  	_ =	shalt  }
0x5a: {  	_ =	shalt  }
0x5b: {  	_ =	shalt  }
0x5c: {  	_ =	shalt  }
0x5d: {  	_ =	shalt  }
0x5e: {  	_ =	shalt  }
0x5f: {  	_ =	shalt  }
0x60: {  	_ =	shalt  }
0x61: {  	_ =	shalt  }
0x62: {  	_ =	shalt  }
0x63: {  	_ =	shalt  }
0x64: {  	_ =	shalt  }
0x65: {  	_ =	shalt  }
0x66: {  	_ =	shalt  }
0x67: {  	_ =	shalt  }
0x68: {  	_ =	shalt  }
0x69: {  	_ =	shalt  }
0x6a: {  	_ =	shalt  }
0x6b: {  	_ =	shalt  }
0x6c: {  	_ =	shalt  }
0x6d: {  	_ =	shalt  }
0x6e: {  	_ =	shalt  }
0x6f: {  	_ =	shalt  }
0x70: {  	_ =	shalt  }
0x71: {  	_ =	shalt  }
0x72: {  	_ =	shalt  }
0x73: {  	_ =	shalt  }
0x74: {  	_ =	shalt  }
0x75: {  	_ =	shalt  }
0x76: {  	_ =	shalt  }
0x77: {  	_ =	shalt  }
0x78: {  	_ =	shalt  }
0x79: {  	_ =	shalt  }
0x7a: {  	_ =	shalt  }
0x7b: {  	_ =	shalt  }
0x7c: {  	_ =	shalt  }
0x7d: {  	_ =	shalt  }
0x7e: {  	_ =	shalt  }
0x7f: {  	_ =	shalt  }
0x80: {  	_ =	shalt  }
0x81: {  	_ =	shalt  }
0x82: {  	_ =	shalt  }
0x83: {  	_ =	shalt  }
0x84: {  	_ =	shalt  }
0x85: {  	_ =	shalt  }
0x86: {  	_ =	shalt  }
0x87: {  	_ =	shalt  }
.Lfunc_end0:
.L_simem_size_0:
called_computation.1_lowered:
.L_overlay_start_0:
0x88: {  	s2 =	sld [smem:$0x3FD9]  }
0x89: {  	s3 =	sld [smem:$0x3FFE];
	_ =	sdelay $0x1  }
0x8a: {  	s1 =	srdreg.scid  }
0x8b: {  	s0 =	sand.u32 $0x1, s1  }
0x8c: {  	s17 =	sshll.u32 s0, $0xA;
	s2 =	sadd.s32 s3, s2  }
0x8d: {  	s2 =	sadd.s32 s2, s17  }
0x8e: {  	[smem:$0x3FC2] =	sst s2  }
0x8f: {  	_ = 	snop  }
0x90: {  	s2 =	sld [smem:$0x3FD0];
	(tm) =	ssettm $0x1  }
0x91: {  	s18 =	sld [smem:$0x3FFB];
	_ =	sdelay $0x3  }
0x92: {  	_ =	strace s18  }
0x93: {  	s3 =	sld [smem:$0x3FFC];
	_ =	sdelay $0x3  }
0x94: {  	_ =	strace s3  }
0x95: {  	s3 =	sld [smem:$0x3FFD];
	_ =	sdelay $0x3  }
0x96: {  	_ =	strace s3  }
0x97: {  	_ =	strace $0x8FFFFFFF  }
0x98: {  	s19 =	sld [smem:$0x3FDB];
	_ =	sdelay $0x1  }
0x99: {  	s4 =	simm.s32 $_scs_section_size  }
0x9a: {  	s5 =	simm.s32 $_size__tile_overlayer_lowered;
	s6 =	simm.s32 $_tile_overlayer_lowered  }
0x9b: {  	s22 =	simm.s32 $0x1BFF;
	s21 =	sshll.u32 s6, $0x1;
	s3 =	sadd.s32 s4, s19  }
0x9c: {  	s7 =	simm.s32 $0x0;
	s20 =	sshll.u32 s5, $0x1;
	s5 =	sadd.s32 s21, s3  }
0x9d: {  	[timem:s7], [sflag:s22] =	dma.local [hbm:s5], s20  }
0x9e: {  	_ =	swait.ge [sflag:s22], s20  }
0x9f: {  	s4 =	ssub.s32 $0x0, s20;
	[sflag:s22] =	ssyncset.done $0x0  }
0xa0: {  	[sflag:s22] =	ssyncadd.s32 s4;
	_ =	sdelay $0x1  }
0xa1: {  	s23 =	simm.s32 $0x1B8B  }
0xa2: {  	_ =	swait.ge [sflag:s23], $0x1  }
0xa3: {  	[sflag:s23] =	ssyncset.done $0x0  }
0xa4: {  	s25 =	simm.s32 $0x1B8E;
	s24 =	sld [smem:$0x3FFE];
	[sflag:s23] =	ssyncadd.s32 $0xFFFFFFFF  }
0xa5: {  	s26 =	simm.s32 $execute0_lowered;
	[smem:$0x3FD2] =	sst s25  }
0xa6: {  	s5 =	sshll.u32 s26, $0x1;
	_ =	strace $0x80000049;
	[dreg:$0x1] =	wrdreg $0xFFFFFFFF  }
0xa7: {  	s28 =	simm.s32 $_size_execute0_lowered;
	s3 =	sadd.s32 s3, s5;
	[dreg:$0x0] =	wrdreg $0x0  }
0xa8: {  	s5 =	sshll.u32 s28, $0x1;
	[dreg:$0x2] =	wrdreg s3  }
0xa9: {  	[dreg:$0x3] =	wrdreg s5  }
0xaa: {  	[dreg:$0x4] =	wrdreg $0xC0  }
0xab: {  	_ =	task [dreg:s7], $0x5FFFF  }
0xac: {  	[dreg:$0x1] =	wrdreg $0xFFFFFFFF  }
0xad: {  	[dreg:$0x0] =	wrdreg $0x60  }
0xae: {  	[dreg:$0x2] =	wrdreg s24  }
0xaf: {  	[dreg:$0x3] =	wrdreg s2  }
0xb0: {  	[dreg:$0x4] =	wrdreg $0x82000  }
0xb1: {  	[dreg:$0x5] =	wrdreg $0x9  }
0xb2: {  	_ =	task.clear_ibuf [dreg:s7], $0x6FFFF;
	_ =	strace $0x90000049  }
0xb3: {  	s29 =	simm.s32 $0x9;
	_ =	strace $0x8000004B  }
0xb4: {  	_ =	swait.ge [sflag:s29], $0x1  }
0xb5: {  	[sflag:s29] =	ssyncadd.s32 $0xFFFFFFFF  }
0xb6: {  	_ =	strace $0x9000004B  }
0xb7: {  	_ =	sfence  }
0xb8: {  	s30 =	sld [smem:$0x0];
	_ =	sdelay $0x2  }
0xb9: {  	s31 =	sshll.u32 s1, $0xD;
	s1 =	sshrl.u32 s1, $0x2  }
0xba: {  	s3 =	sand.u32 $0x4000, s31;
	s1 =	sadd.s32 s1, s30  }
0xbb: {  	s0 =	sor.u32 s3, s0;
	s1 =	sshll.u32 s1, $0x11  }
0xbc: {  	s0 =	sor.u32 s1, s0  }
0xbd: {  	s0 =	sadd.s32 $0x8F2B, s0  }
0xbe: {  	[sflag:s0] =	ssyncadd.remote.s32 $0x1  }
0xbf: {  	_ =	sfence.sel $0xFFFF  }
0xc0: {  	[dreg:$0x0] =	wrdreg $0xFFFFFFFF;
	(pc) =	sbr.abs _section_cstart, $3  }
0xc1: {  	[dreg:$0x1] =	wrdreg $0xFFFFFFFF  }
0xc2: {  	_ =	task.clear_ibuf [dreg:s7], $0x2FFFF;
	_ =	strace $0x9FFFFFFF  }
0xc3: {  	(tm) =	ssettm $0x7FFFFFFF  }
tec
execute0_lowered:
.L_overlay_start_1:
0x0: {  	(tag) =	ssettag $0x1  }
0x1: {  	s6 =	rddreg [dreg:$0x0]  }
0x2: {  	s13 =	rddreg [dreg:$0x1]  }
0x3: {  	s2 =	rddreg [dreg:$0x2]  }
0x4: {  	s0 =	rddreg [dreg:$0x3]  }
0x5: {  	s1 =	stileid.u32;
	s3 =	simm.s32 $0x0;
	s4 =	srdreg.scid  }
0x6: {  	s18 =	simm.s32 $0x100;
	s19 =	simm.s32 $0x1;
	s14 =	smul.u32 $0xA00, s1  }
0x7: {  	s22 =	simm.s32 $0x0;
	[smem:$0x7FF] =	sst s3;
	s7 =	smul.u32 $0x2800, s1  }
0x8: {  	s11 =	sand.u32 $0x1, s4;
	s4 =	sadd.s32 $0x60C00, s6;
	s9 =	smul.u32 $0x50000, s1  }
0x9: {  	s5 =	sadd.s32 $0x53400, s6;
	s20 =	sshll.u32 s1, $0x6;
	_ =	strace $0x8000004A  }
0xa: {  	s8 =	smul.u32 $0x28000, s11;
	s30 =	ssub.s32 $0x2, s11;
	p0 =	seq.s32 s11, $0x0  }
0xb: {  	s17 =	smul.u32 $0x740, s11;
	s20 =	sor.u32 $0x1C02, s20;
	s15 =	sadd.s32 s14, s6  }
0xc: {  	s10 =	sshrl.u32 s30, $0x1;
	s31 =	sshrl.u32 s9, $0x2;
	s14 =	sadd.s32 s14, s13  }
0xd: {  	s7 =	sadd.s32 s7, s8;
	s16 =	ssub.s32 s30, s10;
	s14 =	sadd.s32 s17, s14  }
0xe: {  	s15 =	sadd.s32 s17, s15;
	s17 =	simm.s32 $0x2;
	s12 =	sadd.s32 s7, s6  }
0xf: {  	s6 =	simm.s32 $0x3A;
	s7 =	sadd.s32 s31, s2;
	s13 =	smax.u32 s16, $0x1  }
0x10: {  	s15 =	sadd.s32 $0x56C00, s15;
	s16 =	simm.s32 $0x200;
	s6 =	simm.s32 @!p0 $0x16  }
0x11: {  	s8 =	sadd.s32 $0x4000, s7;
	s9 =	sadd.s32 $0x8000, s7;
	s10 =	sadd.s32 $0xC000, s7  }
0x12: {  	s11 =	sadd.s32 $0x10000, s7;
	s12 =	sadd.s32 $0x88C00, s12;
	s21 =	sshrl.u32 s7, $0x3  }
.LBB2_1:
0x13: {  	[tilespmem:s16], [sflag:$0x2] =	stream.linear.gather [hbm4b:s5+s3], $0x4000, $0x38;
	[tilespmem:$0x1C200] =	vst v63  }
0x14: {  	_ =	swait.ge [sflag:s17], $0x4000  }
0x15: {  	[sflag:s17] =	ssyncset.done $0x0  }
0x16: {  	[sflag:s17] =	ssyncadd.s32 $0xFFFFC000  }
0x17: {  	[spmem:s7] =	stream.linear.scatter [tilespmem:s16], [sflag:$0x2], $0x4000, $0x38;
	[tilespmem:$0x1C200] =	vst v63  }
0x18: {  	_ =	swait.ge [sflag:s17], $0x4000  }
0x19: {  	[sflag:s17] =	ssyncset.done $0x0  }
0x1a: {  	[sflag:s17] =	ssyncadd.s32 $0xFFFFC000  }
0x1b: {  	[spmem:s8] =	stream.linear.scatter [tilespmem:s16], [sflag:$0x2], $0x4000, $0x38;
	[tilespmem:$0x1C200] =	vst v63  }
0x1c: {  	_ =	swait.ge [sflag:s17], $0x4000  }
0x1d: {  	[sflag:s17] =	ssyncset.done $0x0  }
0x1e: {  	[sflag:s17] =	ssyncadd.s32 $0xFFFFC000  }
0x1f: {  	[spmem:s9] =	stream.linear.scatter [tilespmem:s16], [sflag:$0x2], $0x4000, $0x38;
	[tilespmem:$0x1C200] =	vst v63  }
0x20: {  	_ =	swait.ge [sflag:s17], $0x4000  }
0x21: {  	[sflag:s17] =	ssyncset.done $0x0  }
0x22: {  	[sflag:s17] =	ssyncadd.s32 $0xFFFFC000  }
0x23: {  	[spmem:s10] =	stream.linear.scatter [tilespmem:s16], [sflag:$0x2], $0x4000, $0x38;
	[tilespmem:$0x1C200] =	vst v63  }
0x24: {  	_ =	swait.ge [sflag:s17], $0x4000  }
0x25: {  	[sflag:s17] =	ssyncset.done $0x0  }
0x26: {  	[sflag:s17] =	ssyncadd.s32 $0xFFFFC000  }
0x27: {  	[spmem:s11] =	stream.linear.scatter [tilespmem:s16], [sflag:$0x2], $0x4000, $0x38;
	[tilespmem:$0x1C200] =	vst v63  }
0x28: {  	_ =	swait.ge [sflag:s17], $0x4000  }
0x29: {  	[sflag:s17] =	ssyncset.done $0x0  }
0x2a: {  	[sflag:s17] =	ssyncadd.s32 $0xFFFFC000  }
0x2b: {  	[bflag:$0x0] =	sbarrier.arrive $0xFFFF  }
0x2c: {  	[tilespmem:s3], [sflag:$0x2] =	stream.linear.gather [hbm4b:s15+s3], $0x100, $0x38;
	[tilespmem:$0x1C200] =	vst v63  }
0x2d: {  	_ =	swait.ge [sflag:s17], $0x100  }
0x2e: {  	[sflag:s17] =	ssyncset.done $0x0  }
0x2f: {  	[sflag:s17] =	ssyncadd.s32 $0xFFFFFF00  }
0x30: {  	[tilespmem:s18], [sflag:$0x2] =	stream.linear.gather [hbm4b:s14+s3], $0x100, $0x38;
	[tilespmem:$0x1C200] =	vst v63  }
0x31: {  	_ =	swait.ge [sflag:s17], $0x100  }
0x32: {  	[sflag:s17] =	ssyncset.done $0x0  }
0x33: {  	[sflag:s17] =	ssyncadd.s32 $0xFFFFFF00  }
0x34: {  	[tilespmem:s16], [sflag:$0x1] =	stream.indirect.gather [hbm4b:s4+s18], $0x80, s3, s18, $0xb8;
	[tilespmem:$0x1C200] =	vst v63  }
0x35: {  	p0 =	sne.s32 s6, $0x1;
	_ =	swait.ge [sflag:s19], $0x8000  }
.Ltmp0:
0x36: {  	[sflag:s19] =	ssyncset.done $0x0;
	(pc) =	sbr.rel @!p0 .LBB2_3-.Ltmp0, $4  }
0x37: {  	[sflag:s19] =	ssyncadd.s32 $0xFFFF8000  }
0x38: {  	[spmem:s2] =	stream.indirect.scatter.add.f32 [tilespmem:s16], [sflag:$0x2], $0x80, s18, s18, $0xb8;
	[tilespmem:$0x1C200] =	vst v63  }
0x39: {  	s23 =	sadd.s32 $0xFFFFFFFF, s6;
	_ =	swait.ge [sflag:s17], $0x8000  }
0x3a: {  	s24 =	smov.u32 s14;
	s25 =	smov.u32 s15;
	[sflag:s17] =	ssyncset.done $0x0  }
.LBB2_2:
0x3b: {  	[sflag:s17] =	ssyncadd.s32 $0xFFFF8000;
	s24 =	sadd.s32 $0x20, s24;
	s25 =	sadd.s32 $0x20, s25  }
0x3c: {  	[tilespmem:s3], [sflag:$0x2] =	stream.linear.gather [hbm4b:s25+s3], $0x100, $0x38;
	[tilespmem:$0x1C200] =	vst v63  }
0x3d: {  	p0 =	sne.s32 s23, $0x1;
	s23 =	sadd.s32 $0xFFFFFFFF, s23;
	_ =	swait.ge [sflag:s17], $0x100  }
0x3e: {  	[sflag:s17] =	ssyncset.done $0x0  }
0x3f: {  	[sflag:s17] =	ssyncadd.s32 $0xFFFFFF00  }
0x40: {  	[tilespmem:s18], [sflag:$0x2] =	stream.linear.gather [hbm4b:s24+s3], $0x100, $0x38;
	[tilespmem:$0x1C200] =	vst v63  }
0x41: {  	_ =	swait.ge [sflag:s17], $0x100  }
0x42: {  	[sflag:s17] =	ssyncset.done $0x0  }
0x43: {  	[sflag:s17] =	ssyncadd.s32 $0xFFFFFF00  }
0x44: {  	[tilespmem:s16], [sflag:$0x1] =	stream.indirect.gather [hbm4b:s4+s18], $0x80, s3, s18, $0xb8;
	[tilespmem:$0x1C200] =	vst v63  }
0x45: {  	_ =	swait.ge [sflag:s19], $0x8000  }
.Ltmp1:
0x46: {  	[sflag:s19] =	ssyncset.done $0x0;
	(pc) =	sbr.rel @p0 .LBB2_2-.Ltmp1, $4  }
0x47: {  	[sflag:s19] =	ssyncadd.s32 $0xFFFF8000  }
0x48: {  	[spmem:s2] =	stream.indirect.scatter.add.f32 [tilespmem:s16], [sflag:$0x2], $0x80, s18, s18, $0xb8;
	[tilespmem:$0x1C200] =	vst v63  }
0x49: {  	_ =	swait.ge [sflag:s17], $0x8000  }
0x4a: {  	[sflag:s17] =	ssyncset.done $0x0  }
.LBB2_3:
0x4b: {  	s22 =	sadd.s32 $0x1, s22  }
0x4c: {  	[sflag:s17] =	ssyncadd.s32 $0xFFFF8000;
	p0 =	sne.s32 s22, s13  }
.Ltmp2:
0x4d: {  	[bflag:$0x0] =	sbarrier.arrive $0xFFFF;
	(pc) =	sbr.rel @p0 .LBB2_1-.Ltmp2, $4  }
0x4e: {  	[hbm:s12], [sflag:s20] =	dma.local [spmem:s21], $0x2800  }
0x4f: {  	_ =	swait.ge [sflag:s17], $0x2800  }
0x50: {  	[sflag:s17] =	ssyncset.done $0x0  }
0x51: {  	[sflag:s17] =	ssyncadd.s32 $0xFFFFD800  }
0x52: {  	_ =	sfence.sel $0x180000  }
0x53: {  	[bflag:$0x0] =	sbarrier.arrive $0xFFFF  }
0x54: {  	p0 =	sne.s32 s1, $0x0;
	_ =	strace $0x9000004A  }
0x55: {  	s0 =	sadd.s32 @!p0 $0x100000, s0;
	[bflag:$0x2] =	sbarrier.arrive $0xFFFF  }
0x56: {  	[sflag:s0] =	ssyncadd.tile.s32 @!p0 $0x1;
	_ =	shalt  }
.Lfunc_end2:
_tile_overlayer_lowered:
.L_overlay_start_2:
0x57: {  	(tag) =	ssettag $0x2  }
0x58: {  	s0 =	rddreg [dreg:$0x0];
	s2 =	stileid.u32  }
0x59: {  	s1 =	rddreg [dreg:$0x1];
	p0 =	sne.s32 s2, $0x0  }
0x5a: {  	s3 =	rddreg [dreg:$0x2];
	[bflag:$0x3] =	sbarrier.arrive $0xFFFF;
	s2 =	simm.s32 @!p0 $0x1C02  }
0x5b: {  	[timem:s3], [sflag:s2] =	dma.local @!p0 [hbm:s0], s1  }
0x5c: {  	s0 =	simm.s32 @!p0 $0x2  }
0x5d: {  	_ =	swait.ge @!p0 [sflag:s0], s1  }
0x5e: {  	s1 =	ssub.s32 @!p0 $0x0, s1;
	[sflag:s0] =	ssyncset.done @!p0 $0x0  }
0x5f: {  	[sflag:s0] =	ssyncadd.s32 @!p0 s1  }
0x60: {  	[bflag:$0x3] =	sbarrier.arrive $0xFFFF  }
0x61: {  	_ =	shalt  }

// kernel: kernel.15.cloned.1.call-start
scs
__scs_entry_jumppad:
0x0: {  	(pc) =	sbr.rel $0x88, $3  }
0x1: {  	(tag) =	ssettag $0x0;
	lr =	simm.s32 $0x1  }
0x2: {  	[smem:$0x3F9B] =	sst lr;
	_ =	strace $0xD0000000  }
0x3: {  	_ = 	snop  }
0x4: {  	_ = 	snop  }
0x5: {  	_ = 	snop  }
0x6: {  	_ = 	snop  }
0x7: {  	_ = 	snop  }
__scs_overlays_trampoline_lowered:
0x8: {  	[smem:$0x3FAA] =	sst s0  }
0x9: {  	[smem:$0x3FAB] =	sst s1  }
0xa: {  	[smem:$0x3FAC] =	sst s2  }
0xb: {  	[smem:$0x3FAD] =	sst s3  }
0xc: {  	[smem:$0x3FAE] =	sst s4  }
0xd: {  	[smem:$0x3FAF] =	sst s5  }
0xe: {  	[smem:$0x3FB0] =	sst s6  }
0xf: {  	[smem:$0x3FB1] =	sst s7  }
0x10: {  	[smem:$0x3FB2] =	sst s8  }
0x11: {  	[smem:$0x3FB3] =	sst s9;
	s0 =	simm.s32 @!p0 $0x0  }
0x12: {  	s1 =	sld [smem:$0x3F99];
	s0 =	simm.s32 @p0 $0x1  }
0x13: {  	[smem:$0x3FB4] =	sst s0;
	s0 =	simm.s32 @!p1 $0x0  }
0x14: {  	s2 =	sld [smem:$0x3F98];
	s0 =	simm.s32 @p1 $0x1  }
0x15: {  	[smem:$0x3FB5] =	sst s0;
	s0 =	simm.s32 @!p2 $0x0  }
0x16: {  	s3 =	sld [smem:$0x3FDB];
	s0 =	simm.s32 @p2 $0x1  }
0x17: {  	s4 =	simm.s32 $0x1BF5;
	[smem:$0x3FB7] =	sst s0  }
0x18: {  	s0 =	sld [smem:$0x3F9A];
	_ =	swait.ge [sflag:s4], $0x0  }
0x19: {  	s7 =	sld [smem:$0x3F9B]  }
0x1a: {  	s8 =	sadd.s32 $0xFFFFE003, lr  }
0x1b: {  	s9 =	sadd.s32 $0xFFFFFEF7, lr;
	s5 =	simm.s32 $0xFFFFFFFF;
	p2 =	slt.u32 s8, $0xFFFFF086  }
0x1c: {  	p1 =	slt.u32 s9, $0xF7A;
	s5 =	simm.s32 @!p2 $0x0  }
0x1d: {  	s5 =	simm.s32 @p1 $0x1;
	p0 =	seq.s32 s7, s2  }
0x1e: {  	s7 =	smul.u32 @!p0 $0xF7A, s2;
	p2 =	seq.s32 @!p0 s5, $0x0  }
0x1f: {  	s9 =	smul.u32 $0xF7A, s1;
	s8 =	simm.s32 @!p0 $0x1BF5;
	p2 =	por !p2, p0  }
0x20: {  	[sflag:s8] =	ssyncset.s32 @!p0 $0xFFFFF086;
	s6 =	sadd.s32 @!p0 s3, s7;
	s7 =	simm.s32 @!p0 $0x108  }
0x21: {  	s3 =	sadd.s32 s3, s9;
	s6 =	sadd.s32 @!p0 $0x88, s6;
	s7 =	simm.s32 @p2 $0x1082  }
0x22: {  	[simem:s7], [sflag:s8] =	dma.local @!p0 [hbm:s6], $0xF7A  }
0x23: {  	s9 =	sor.u32 $0xD0000000, s2;
	s6 =	simm.s32 $0x108;
	_ =	swait.ge @!p0 [sflag:s8], $0x0  }
0x24: {  	s3 =	sadd.s32 $0x88, s3;
	s6 =	simm.s32 @!p1 $0x1082;
	[sflag:s4] =	ssyncset.s32 $0xFFFFF086  }
0x25: {  	[simem:s6], [sflag:s4] =	dma.local [hbm:s3], $0xF7A  }
0x26: {  	[smem:$0x3F9B] =	sst s1;
	(tag) =	ssettag s2;
	_ =	strace s9  }
0x27: {  	s1 =	sld [smem:$0x3FAB]  }
0x28: {  	s2 =	sld [smem:$0x3FAC]  }
0x29: {  	s4 =	sld [smem:$0x3FAE]  }
0x2a: {  	p0 =	seq.s32 s5, $0x0;
	s5 =	sld [smem:$0x3FAF]  }
0x2b: {  	s6 =	sld [smem:$0x3FB0]  }
0x2c: {  	s7 =	sld [smem:$0x3FB1]  }
0x2d: {  	s3 =	simm.s32 $0x108;
	s8 =	sld [smem:$0x3FB2]  }
0x2e: {  	s3 =	simm.s32 @!p0 $0x1082;
	s9 =	sld [smem:$0x3FB3]  }
0x2f: {  	lr =	sadd.s32 s0, s3;
	s0 =	sld [smem:$0x3FAA]  }
0x30: {  	s3 =	sld [smem:$0x3FAD]  }
0x31: {  	[smem:$0x3FB6] =	sst s10  }
0x32: {  	s10 =	sld [smem:$0x3FB4];
	_ =	sdelay $0x3  }
0x33: {  	p0 =	seq.s32 s10, $0x1;
	s10 =	sld [smem:$0x3FB6];
	_ =	sdelay $0x3  }
0x34: {  	[smem:$0x3FB6] =	sst s10  }
0x35: {  	s10 =	sld [smem:$0x3FB5];
	_ =	sdelay $0x3  }
0x36: {  	p1 =	seq.s32 s10, $0x1;
	s10 =	sld [smem:$0x3FB6];
	_ =	sdelay $0x3  }
0x37: {  	[smem:$0x3FB6] =	sst s10  }
0x38: {  	s10 =	sld [smem:$0x3FB7]  }
0x39: {  	_ = 	snop;
	(pc) =	sbr.ind lr, $3  }
0x3a: {  	_ = 	snop  }
0x3b: {  	_ = 	snop  }
0x3c: {  	p2 =	seq.s32 s10, $0x1;
	s10 =	sld [smem:$0x3FB6]  }
0x3d: {  	_ =	shalt  }
0x3e: {  	_ =	shalt  }
0x3f: {  	_ =	shalt  }
0x40: {  	_ =	shalt  }
0x41: {  	_ =	shalt  }
0x42: {  	_ =	shalt  }
0x43: {  	_ =	shalt  }
0x44: {  	_ =	shalt  }
0x45: {  	_ =	shalt  }
0x46: {  	_ =	shalt  }
0x47: {  	_ =	shalt  }
0x48: {  	_ =	shalt  }
0x49: {  	_ =	shalt  }
0x4a: {  	_ =	shalt  }
0x4b: {  	_ =	shalt  }
0x4c: {  	_ =	shalt  }
0x4d: {  	_ =	shalt  }
0x4e: {  	_ =	shalt  }
0x4f: {  	_ =	shalt  }
0x50: {  	_ =	shalt  }
0x51: {  	_ =	shalt  }
0x52: {  	_ =	shalt  }
0x53: {  	_ =	shalt  }
0x54: {  	_ =	shalt  }
0x55: {  	_ =	shalt  }
0x56: {  	_ =	shalt  }
0x57: {  	_ =	shalt  }
0x58: {  	_ =	shalt  }
0x59: {  	_ =	shalt  }
0x5a: {  	_ =	shalt  }
0x5b: {  	_ =	shalt  }
0x5c: {  	_ =	shalt  }
0x5d: {  	_ =	shalt  }
0x5e: {  	_ =	shalt  }
0x5f: {  	_ =	shalt  }
0x60: {  	_ =	shalt  }
0x61: {  	_ =	shalt  }
0x62: {  	_ =	shalt  }
0x63: {  	_ =	shalt  }
0x64: {  	_ =	shalt  }
0x65: {  	_ =	shalt  }
0x66: {  	_ =	shalt  }
0x67: {  	_ =	shalt  }
0x68: {  	_ =	shalt  }
0x69: {  	_ =	shalt  }
0x6a: {  	_ =	shalt  }
0x6b: {  	_ =	shalt  }
0x6c: {  	_ =	shalt  }
0x6d: {  	_ =	shalt  }
0x6e: {  	_ =	shalt  }
0x6f: {  	_ =	shalt  }
0x70: {  	_ =	shalt  }
0x71: {  	_ =	shalt  }
0x72: {  	_ =	shalt  }
0x73: {  	_ =	shalt  }
0x74: {  	_ =	shalt  }
0x75: {  	_ =	shalt  }
0x76: {  	_ =	shalt  }
0x77: {  	_ =	shalt  }
0x78: {  	_ =	shalt  }
0x79: {  	_ =	shalt  }
0x7a: {  	_ =	shalt  }
0x7b: {  	_ =	shalt  }
0x7c: {  	_ =	shalt  }
0x7d: {  	_ =	shalt  }
0x7e: {  	_ =	shalt  }
0x7f: {  	_ =	shalt  }
0x80: {  	_ =	shalt  }
0x81: {  	_ =	shalt  }
0x82: {  	_ =	shalt  }
0x83: {  	_ =	shalt  }
0x84: {  	_ =	shalt  }
0x85: {  	_ =	shalt  }
0x86: {  	_ =	shalt  }
0x87: {  	_ =	shalt  }
.Lfunc_end0:
.L_simem_size_0:
called_computation.2_lowered:
.L_overlay_start_0:
0x88: {  	s2 =	sld [smem:$0x3FD9]  }
0x89: {  	s3 =	sld [smem:$0x3FFE];
	_ =	sdelay $0x1  }
0x8a: {  	s1 =	srdreg.scid  }
0x8b: {  	s0 =	sand.u32 $0x1, s1  }
0x8c: {  	s17 =	sshll.u32 s0, $0xA;
	s2 =	sadd.s32 s3, s2  }
0x8d: {  	s2 =	sadd.s32 s2, s17  }
0x8e: {  	[smem:$0x3FC2] =	sst s2  }
0x8f: {  	_ = 	snop  }
0x90: {  	s2 =	sld [smem:$0x3FD0];
	(tm) =	ssettm $0x1  }
0x91: {  	s18 =	sld [smem:$0x3FFB];
	_ =	sdelay $0x3  }
0x92: {  	_ =	strace s18  }
0x93: {  	s3 =	sld [smem:$0x3FFC];
	_ =	sdelay $0x3  }
0x94: {  	_ =	strace s3  }
0x95: {  	s3 =	sld [smem:$0x3FFD];
	_ =	sdelay $0x3  }
0x96: {  	_ =	strace s3  }
0x97: {  	_ =	strace $0x8FFFFFFF  }
0x98: {  	s19 =	sld [smem:$0x3FDB];
	_ =	sdelay $0x1  }
0x99: {  	s4 =	simm.s32 $_scs_section_size  }
0x9a: {  	s5 =	simm.s32 $_size__tile_overlayer_lowered;
	s6 =	simm.s32 $_tile_overlayer_lowered  }
0x9b: {  	s22 =	simm.s32 $0x1BFF;
	s21 =	sshll.u32 s6, $0x1;
	s3 =	sadd.s32 s4, s19  }
0x9c: {  	s7 =	simm.s32 $0x0;
	s20 =	sshll.u32 s5, $0x1;
	s5 =	sadd.s32 s21, s3  }
0x9d: {  	[timem:s7], [sflag:s22] =	dma.local [hbm:s5], s20  }
0x9e: {  	_ =	swait.ge [sflag:s22], s20  }
0x9f: {  	s4 =	ssub.s32 $0x0, s20;
	[sflag:s22] =	ssyncset.done $0x0  }
0xa0: {  	[sflag:s22] =	ssyncadd.s32 s4;
	_ =	sdelay $0x1  }
0xa1: {  	s23 =	simm.s32 $0x1B8B  }
0xa2: {  	_ =	swait.ge [sflag:s23], $0x1  }
0xa3: {  	[sflag:s23] =	ssyncset.done $0x0  }
0xa4: {  	s25 =	simm.s32 $0x1B8E;
	s24 =	sld [smem:$0x3FFE];
	[sflag:s23] =	ssyncadd.s32 $0xFFFFFFFF  }
0xa5: {  	s26 =	simm.s32 $execute0_lowered;
	[smem:$0x3FD2] =	sst s25  }
0xa6: {  	s5 =	sshll.u32 s26, $0x1;
	_ =	strace $0x8000004C;
	[dreg:$0x1] =	wrdreg $0xFFFFFFFF  }
0xa7: {  	s28 =	simm.s32 $_size_execute0_lowered;
	s3 =	sadd.s32 s3, s5;
	[dreg:$0x0] =	wrdreg $0x0  }
0xa8: {  	s5 =	sshll.u32 s28, $0x1;
	[dreg:$0x2] =	wrdreg s3  }
0xa9: {  	[dreg:$0x3] =	wrdreg s5  }
0xaa: {  	[dreg:$0x4] =	wrdreg $0xC0  }
0xab: {  	_ =	task [dreg:s7], $0x5FFFF  }
0xac: {  	[dreg:$0x1] =	wrdreg $0xFFFFFFFF  }
0xad: {  	[dreg:$0x0] =	wrdreg $0x60  }
0xae: {  	[dreg:$0x2] =	wrdreg s24  }
0xaf: {  	[dreg:$0x3] =	wrdreg s2  }
0xb0: {  	[dreg:$0x4] =	wrdreg $0x82000  }
0xb1: {  	[dreg:$0x5] =	wrdreg $0x9  }
0xb2: {  	_ =	task.clear_ibuf [dreg:s7], $0x6FFFF;
	_ =	strace $0x9000004C  }
0xb3: {  	s29 =	simm.s32 $0x9;
	_ =	strace $0x8000004E  }
0xb4: {  	_ =	swait.ge [sflag:s29], $0x1  }
0xb5: {  	[sflag:s29] =	ssyncadd.s32 $0xFFFFFFFF  }
0xb6: {  	_ =	strace $0x9000004E  }
0xb7: {  	_ =	sfence  }
0xb8: {  	s30 =	sld [smem:$0x0];
	_ =	sdelay $0x2  }
0xb9: {  	s31 =	sshll.u32 s1, $0xD;
	s1 =	sshrl.u32 s1, $0x2  }
0xba: {  	s3 =	sand.u32 $0x4000, s31;
	s1 =	sadd.s32 s1, s30  }
0xbb: {  	s0 =	sor.u32 s3, s0;
	s1 =	sshll.u32 s1, $0x11  }
0xbc: {  	s0 =	sor.u32 s1, s0  }
0xbd: {  	s0 =	sadd.s32 $0x8F2B, s0  }
0xbe: {  	[sflag:s0] =	ssyncadd.remote.s32 $0x1  }
0xbf: {  	_ =	sfence.sel $0xFFFF  }
0xc0: {  	[dreg:$0x0] =	wrdreg $0xFFFFFFFF;
	(pc) =	sbr.abs _section_cstart, $3  }
0xc1: {  	[dreg:$0x1] =	wrdreg $0xFFFFFFFF  }
0xc2: {  	_ =	task.clear_ibuf [dreg:s7], $0x2FFFF;
	_ =	strace $0x9FFFFFFF  }
0xc3: {  	(tm) =	ssettm $0x7FFFFFFF  }
tec
execute0_lowered:
.L_overlay_start_1:
0x0: {  	(tag) =	ssettag $0x1  }
0x1: {  	s6 =	rddreg [dreg:$0x0]  }
0x2: {  	s13 =	rddreg [dreg:$0x1]  }
0x3: {  	s2 =	rddreg [dreg:$0x2]  }
0x4: {  	s0 =	rddreg [dreg:$0x3]  }
0x5: {  	s1 =	stileid.u32;
	s3 =	simm.s32 $0x0;
	s4 =	srdreg.scid  }
0x6: {  	s18 =	simm.s32 $0x100;
	s19 =	simm.s32 $0x1;
	s14 =	smul.u32 $0xA00, s1  }
0x7: {  	s22 =	simm.s32 $0x0;
	[smem:$0x7FF] =	sst s3;
	s7 =	smul.u32 $0x2800, s1  }
0x8: {  	s11 =	sand.u32 $0x1, s4;
	s4 =	sadd.s32 $0x60C00, s6;
	s9 =	smul.u32 $0x50000, s1  }
0x9: {  	s5 =	sadd.s32 $0x53400, s6;
	s20 =	sshll.u32 s1, $0x6;
	_ =	strace $0x8000004D  }
0xa: {  	s8 =	smul.u32 $0x28000, s11;
	s30 =	ssub.s32 $0x2, s11;
	p0 =	seq.s32 s11, $0x0  }
0xb: {  	s17 =	smul.u32 $0x740, s11;
	s20 =	sor.u32 $0x1C02, s20;
	s15 =	sadd.s32 s14, s6  }
0xc: {  	s10 =	sshrl.u32 s30, $0x1;
	s31 =	sshrl.u32 s9, $0x2;
	s14 =	sadd.s32 s14, s13  }
0xd: {  	s7 =	sadd.s32 s7, s8;
	s16 =	ssub.s32 s30, s10;
	s14 =	sadd.s32 s17, s14  }
0xe: {  	s15 =	sadd.s32 s17, s15;
	s17 =	simm.s32 $0x2;
	s12 =	sadd.s32 s7, s6  }
0xf: {  	s6 =	simm.s32 $0x3A;
	s7 =	sadd.s32 s31, s2;
	s13 =	smax.u32 s16, $0x1  }
0x10: {  	s15 =	sadd.s32 $0x56C00, s15;
	s16 =	simm.s32 $0x200;
	s6 =	simm.s32 @!p0 $0x16  }
0x11: {  	s8 =	sadd.s32 $0x4000, s7;
	s9 =	sadd.s32 $0x8000, s7;
	s10 =	sadd.s32 $0xC000, s7  }
0x12: {  	s11 =	sadd.s32 $0x10000, s7;
	s12 =	sadd.s32 $0x88C00, s12;
	s21 =	sshrl.u32 s7, $0x3  }
.LBB2_1:
0x13: {  	[tilespmem:s16], [sflag:$0x2] =	stream.linear.gather [hbm4b:s5+s3], $0x4000, $0x38;
	[tilespmem:$0x1C200] =	vst v63  }
0x14: {  	_ =	swait.ge [sflag:s17], $0x4000  }
0x15: {  	[sflag:s17] =	ssyncset.done $0x0  }
0x16: {  	[sflag:s17] =	ssyncadd.s32 $0xFFFFC000  }
0x17: {  	[spmem:s7] =	stream.linear.scatter [tilespmem:s16], [sflag:$0x2], $0x4000, $0x38;
	[tilespmem:$0x1C200] =	vst v63  }
0x18: {  	_ =	swait.ge [sflag:s17], $0x4000  }
0x19: {  	[sflag:s17] =	ssyncset.done $0x0  }
0x1a: {  	[sflag:s17] =	ssyncadd.s32 $0xFFFFC000  }
0x1b: {  	[spmem:s8] =	stream.linear.scatter [tilespmem:s16], [sflag:$0x2], $0x4000, $0x38;
	[tilespmem:$0x1C200] =	vst v63  }
0x1c: {  	_ =	swait.ge [sflag:s17], $0x4000  }
0x1d: {  	[sflag:s17] =	ssyncset.done $0x0  }
0x1e: {  	[sflag:s17] =	ssyncadd.s32 $0xFFFFC000  }
0x1f: {  	[spmem:s9] =	stream.linear.scatter [tilespmem:s16], [sflag:$0x2], $0x4000, $0x38;
	[tilespmem:$0x1C200] =	vst v63  }
0x20: {  	_ =	swait.ge [sflag:s17], $0x4000  }
0x21: {  	[sflag:s17] =	ssyncset.done $0x0  }
0x22: {  	[sflag:s17] =	ssyncadd.s32 $0xFFFFC000  }
0x23: {  	[spmem:s10] =	stream.linear.scatter [tilespmem:s16], [sflag:$0x2], $0x4000, $0x38;
	[tilespmem:$0x1C200] =	vst v63  }
0x24: {  	_ =	swait.ge [sflag:s17], $0x4000  }
0x25: {  	[sflag:s17] =	ssyncset.done $0x0  }
0x26: {  	[sflag:s17] =	ssyncadd.s32 $0xFFFFC000  }
0x27: {  	[spmem:s11] =	stream.linear.scatter [tilespmem:s16], [sflag:$0x2], $0x4000, $0x38;
	[tilespmem:$0x1C200] =	vst v63  }
0x28: {  	_ =	swait.ge [sflag:s17], $0x4000  }
0x29: {  	[sflag:s17] =	ssyncset.done $0x0  }
0x2a: {  	[sflag:s17] =	ssyncadd.s32 $0xFFFFC000  }
0x2b: {  	[bflag:$0x0] =	sbarrier.arrive $0xFFFF  }
0x2c: {  	[tilespmem:s3], [sflag:$0x2] =	stream.linear.gather [hbm4b:s15+s3], $0x100, $0x38;
	[tilespmem:$0x1C200] =	vst v63  }
0x2d: {  	_ =	swait.ge [sflag:s17], $0x100  }
0x2e: {  	[sflag:s17] =	ssyncset.done $0x0  }
0x2f: {  	[sflag:s17] =	ssyncadd.s32 $0xFFFFFF00  }
0x30: {  	[tilespmem:s18], [sflag:$0x2] =	stream.linear.gather [hbm4b:s14+s3], $0x100, $0x38;
	[tilespmem:$0x1C200] =	vst v63  }
0x31: {  	_ =	swait.ge [sflag:s17], $0x100  }
0x32: {  	[sflag:s17] =	ssyncset.done $0x0  }
0x33: {  	[sflag:s17] =	ssyncadd.s32 $0xFFFFFF00  }
0x34: {  	[tilespmem:s16], [sflag:$0x1] =	stream.indirect.gather [hbm4b:s4+s18], $0x80, s3, s18, $0xb8;
	[tilespmem:$0x1C200] =	vst v63  }
0x35: {  	p0 =	sne.s32 s6, $0x1;
	_ =	swait.ge [sflag:s19], $0x8000  }
.Ltmp0:
0x36: {  	[sflag:s19] =	ssyncset.done $0x0;
	(pc) =	sbr.rel @!p0 .LBB2_3-.Ltmp0, $4  }
0x37: {  	[sflag:s19] =	ssyncadd.s32 $0xFFFF8000  }
0x38: {  	[spmem:s2] =	stream.indirect.scatter.add.f32 [tilespmem:s16], [sflag:$0x2], $0x80, s18, s18, $0xb8;
	[tilespmem:$0x1C200] =	vst v63  }
0x39: {  	s23 =	sadd.s32 $0xFFFFFFFF, s6;
	_ =	swait.ge [sflag:s17], $0x8000  }
0x3a: {  	s24 =	smov.u32 s14;
	s25 =	smov.u32 s15;
	[sflag:s17] =	ssyncset.done $0x0  }
.LBB2_2:
0x3b: {  	[sflag:s17] =	ssyncadd.s32 $0xFFFF8000;
	s24 =	sadd.s32 $0x20, s24;
	s25 =	sadd.s32 $0x20, s25  }
0x3c: {  	[tilespmem:s3], [sflag:$0x2] =	stream.linear.gather [hbm4b:s25+s3], $0x100, $0x38;
	[tilespmem:$0x1C200] =	vst v63  }
0x3d: {  	p0 =	sne.s32 s23, $0x1;
	s23 =	sadd.s32 $0xFFFFFFFF, s23;
	_ =	swait.ge [sflag:s17], $0x100  }
0x3e: {  	[sflag:s17] =	ssyncset.done $0x0  }
0x3f: {  	[sflag:s17] =	ssyncadd.s32 $0xFFFFFF00  }
0x40: {  	[tilespmem:s18], [sflag:$0x2] =	stream.linear.gather [hbm4b:s24+s3], $0x100, $0x38;
	[tilespmem:$0x1C200] =	vst v63  }
0x41: {  	_ =	swait.ge [sflag:s17], $0x100  }
0x42: {  	[sflag:s17] =	ssyncset.done $0x0  }
0x43: {  	[sflag:s17] =	ssyncadd.s32 $0xFFFFFF00  }
0x44: {  	[tilespmem:s16], [sflag:$0x1] =	stream.indirect.gather [hbm4b:s4+s18], $0x80, s3, s18, $0xb8;
	[tilespmem:$0x1C200] =	vst v63  }
0x45: {  	_ =	swait.ge [sflag:s19], $0x8000  }
.Ltmp1:
0x46: {  	[sflag:s19] =	ssyncset.done $0x0;
	(pc) =	sbr.rel @p0 .LBB2_2-.Ltmp1, $4  }
0x47: {  	[sflag:s19] =	ssyncadd.s32 $0xFFFF8000  }
0x48: {  	[spmem:s2] =	stream.indirect.scatter.add.f32 [tilespmem:s16], [sflag:$0x2], $0x80, s18, s18, $0xb8;
	[tilespmem:$0x1C200] =	vst v63  }
0x49: {  	_ =	swait.ge [sflag:s17], $0x8000  }
0x4a: {  	[sflag:s17] =	ssyncset.done $0x0  }
.LBB2_3:
0x4b: {  	s22 =	sadd.s32 $0x1, s22  }
0x4c: {  	[sflag:s17] =	ssyncadd.s32 $0xFFFF8000;
	p0 =	sne.s32 s22, s13  }
.Ltmp2:
0x4d: {  	[bflag:$0x0] =	sbarrier.arrive $0xFFFF;
	(pc) =	sbr.rel @p0 .LBB2_1-.Ltmp2, $4  }
0x4e: {  	[hbm:s12], [sflag:s20] =	dma.local [spmem:s21], $0x2800  }
0x4f: {  	_ =	swait.ge [sflag:s17], $0x2800  }
0x50: {  	[sflag:s17] =	ssyncset.done $0x0  }
0x51: {  	[sflag:s17] =	ssyncadd.s32 $0xFFFFD800  }
0x52: {  	_ =	sfence.sel $0x180000  }
0x53: {  	[bflag:$0x0] =	sbarrier.arrive $0xFFFF  }
0x54: {  	p0 =	sne.s32 s1, $0x0;
	_ =	strace $0x9000004D  }
0x55: {  	s0 =	sadd.s32 @!p0 $0x100000, s0;
	[bflag:$0x2] =	sbarrier.arrive $0xFFFF  }
0x56: {  	[sflag:s0] =	ssyncadd.tile.s32 @!p0 $0x1;
	_ =	shalt  }
.Lfunc_end2:
_tile_overlayer_lowered:
.L_overlay_start_2:
0x57: {  	(tag) =	ssettag $0x2  }
0x58: {  	s0 =	rddreg [dreg:$0x0];
	s2 =	stileid.u32  }
0x59: {  	s1 =	rddreg [dreg:$0x1];
	p0 =	sne.s32 s2, $0x0  }
0x5a: {  	s3 =	rddreg [dreg:$0x2];
	[bflag:$0x3] =	sbarrier.arrive $0xFFFF;
	s2 =	simm.s32 @!p0 $0x1C02  }
0x5b: {  	[timem:s3], [sflag:s2] =	dma.local @!p0 [hbm:s0], s1  }
0x5c: {  	s0 =	simm.s32 @!p0 $0x2  }
0x5d: {  	_ =	swait.ge @!p0 [sflag:s0], s1  }
0x5e: {  	s1 =	ssub.s32 @!p0 $0x0, s1;
	[sflag:s0] =	ssyncset.done @!p0 $0x0  }
0x5f: {  	[sflag:s0] =	ssyncadd.s32 @!p0 s1  }
0x60: {  	[bflag:$0x3] =	sbarrier.arrive $0xFFFF  }
0x61: {  	_ =	shalt  }

// kernel: kernel.9.cloned.1.call-start
scs
__scs_entry_jumppad:
0x0: {  	(pc) =	sbr.rel $0x88, $3  }
0x1: {  	(tag) =	ssettag $0x0;
	lr =	simm.s32 $0x1  }
0x2: {  	[smem:$0x3F9B] =	sst lr;
	_ =	strace $0xD0000000  }
0x3: {  	_ = 	snop  }
0x4: {  	_ = 	snop  }
0x5: {  	_ = 	snop  }
0x6: {  	_ = 	snop  }
0x7: {  	_ = 	snop  }
__scs_overlays_trampoline_lowered:
0x8: {  	[smem:$0x3FAA] =	sst s0  }
0x9: {  	[smem:$0x3FAB] =	sst s1  }
0xa: {  	[smem:$0x3FAC] =	sst s2  }
0xb: {  	[smem:$0x3FAD] =	sst s3  }
0xc: {  	[smem:$0x3FAE] =	sst s4  }
0xd: {  	[smem:$0x3FAF] =	sst s5  }
0xe: {  	[smem:$0x3FB0] =	sst s6  }
0xf: {  	[smem:$0x3FB1] =	sst s7  }
0x10: {  	[smem:$0x3FB2] =	sst s8  }
0x11: {  	[smem:$0x3FB3] =	sst s9;
	s0 =	simm.s32 @!p0 $0x0  }
0x12: {  	s1 =	sld [smem:$0x3F99];
	s0 =	simm.s32 @p0 $0x1  }
0x13: {  	[smem:$0x3FB4] =	sst s0;
	s0 =	simm.s32 @!p1 $0x0  }
0x14: {  	s2 =	sld [smem:$0x3F98];
	s0 =	simm.s32 @p1 $0x1  }
0x15: {  	[smem:$0x3FB5] =	sst s0;
	s0 =	simm.s32 @!p2 $0x0  }
0x16: {  	s3 =	sld [smem:$0x3FDB];
	s0 =	simm.s32 @p2 $0x1  }
0x17: {  	s4 =	simm.s32 $0x1BF5;
	[smem:$0x3FB7] =	sst s0  }
0x18: {  	s0 =	sld [smem:$0x3F9A];
	_ =	swait.ge [sflag:s4], $0x0  }
0x19: {  	s7 =	sld [smem:$0x3F9B]  }
0x1a: {  	s8 =	sadd.s32 $0xFFFFE003, lr  }
0x1b: {  	s9 =	sadd.s32 $0xFFFFFEF7, lr;
	s5 =	simm.s32 $0xFFFFFFFF;
	p2 =	slt.u32 s8, $0xFFFFF086  }
0x1c: {  	p1 =	slt.u32 s9, $0xF7A;
	s5 =	simm.s32 @!p2 $0x0  }
0x1d: {  	s5 =	simm.s32 @p1 $0x1;
	p0 =	seq.s32 s7, s2  }
0x1e: {  	s7 =	smul.u32 @!p0 $0xF7A, s2;
	p2 =	seq.s32 @!p0 s5, $0x0  }
0x1f: {  	s9 =	smul.u32 $0xF7A, s1;
	s8 =	simm.s32 @!p0 $0x1BF5;
	p2 =	por !p2, p0  }
0x20: {  	[sflag:s8] =	ssyncset.s32 @!p0 $0xFFFFF086;
	s6 =	sadd.s32 @!p0 s3, s7;
	s7 =	simm.s32 @!p0 $0x108  }
0x21: {  	s3 =	sadd.s32 s3, s9;
	s6 =	sadd.s32 @!p0 $0x88, s6;
	s7 =	simm.s32 @p2 $0x1082  }
0x22: {  	[simem:s7], [sflag:s8] =	dma.local @!p0 [hbm:s6], $0xF7A  }
0x23: {  	s9 =	sor.u32 $0xD0000000, s2;
	s6 =	simm.s32 $0x108;
	_ =	swait.ge @!p0 [sflag:s8], $0x0  }
0x24: {  	s3 =	sadd.s32 $0x88, s3;
	s6 =	simm.s32 @!p1 $0x1082;
	[sflag:s4] =	ssyncset.s32 $0xFFFFF086  }
0x25: {  	[simem:s6], [sflag:s4] =	dma.local [hbm:s3], $0xF7A  }
0x26: {  	[smem:$0x3F9B] =	sst s1;
	(tag) =	ssettag s2;
	_ =	strace s9  }
0x27: {  	s1 =	sld [smem:$0x3FAB]  }
0x28: {  	s2 =	sld [smem:$0x3FAC]  }
0x29: {  	s4 =	sld [smem:$0x3FAE]  }
0x2a: {  	p0 =	seq.s32 s5, $0x0;
	s5 =	sld [smem:$0x3FAF]  }
0x2b: {  	s6 =	sld [smem:$0x3FB0]  }
0x2c: {  	s7 =	sld [smem:$0x3FB1]  }
0x2d: {  	s3 =	simm.s32 $0x108;
	s8 =	sld [smem:$0x3FB2]  }
0x2e: {  	s3 =	simm.s32 @!p0 $0x1082;
	s9 =	sld [smem:$0x3FB3]  }
0x2f: {  	lr =	sadd.s32 s0, s3;
	s0 =	sld [smem:$0x3FAA]  }
0x30: {  	s3 =	sld [smem:$0x3FAD]  }
0x31: {  	[smem:$0x3FB6] =	sst s10  }
0x32: {  	s10 =	sld [smem:$0x3FB4];
	_ =	sdelay $0x3  }
0x33: {  	p0 =	seq.s32 s10, $0x1;
	s10 =	sld [smem:$0x3FB6];
	_ =	sdelay $0x3  }
0x34: {  	[smem:$0x3FB6] =	sst s10  }
0x35: {  	s10 =	sld [smem:$0x3FB5];
	_ =	sdelay $0x3  }
0x36: {  	p1 =	seq.s32 s10, $0x1;
	s10 =	sld [smem:$0x3FB6];
	_ =	sdelay $0x3  }
0x37: {  	[smem:$0x3FB6] =	sst s10  }
0x38: {  	s10 =	sld [smem:$0x3FB7]  }
0x39: {  	_ = 	snop;
	(pc) =	sbr.ind lr, $3  }
0x3a: {  	_ = 	snop  }
0x3b: {  	_ = 	snop  }
0x3c: {  	p2 =	seq.s32 s10, $0x1;
	s10 =	sld [smem:$0x3FB6]  }
0x3d: {  	_ =	shalt  }
0x3e: {  	_ =	shalt  }
0x3f: {  	_ =	shalt  }
0x40: {  	_ =	shalt  }
0x41: {  	_ =	shalt  }
0x42: {  	_ =	shalt  }
0x43: {  	_ =	shalt  }
0x44: {  	_ =	shalt  }
0x45: {  	_ =	shalt  }
0x46: {  	_ =	shalt  }
0x47: {  	_ =	shalt  }
0x48: {  	_ =	shalt  }
0x49: {  	_ =	shalt  }
0x4a: {  	_ =	shalt  }
0x4b: {  	_ =	shalt  }
0x4c: {  	_ =	shalt  }
0x4d: {  	_ =	shalt  }
0x4e: {  	_ =	shalt  }
0x4f: {  	_ =	shalt  }
0x50: {  	_ =	shalt  }
0x51: {  	_ =	shalt  }
0x52: {  	_ =	shalt  }
0x53: {  	_ =	shalt  }
0x54: {  	_ =	shalt  }
0x55: {  	_ =	shalt  }
0x56: {  	_ =	shalt  }
0x57: {  	_ =	shalt  }
0x58: {  	_ =	shalt  }
0x59: {  	_ =	shalt  }
0x5a: {  	_ =	shalt  }
0x5b: {  	_ =	shalt  }
0x5c: {  	_ =	shalt  }
0x5d: {  	_ =	shalt  }
0x5e: {  	_ =	shalt  }
0x5f: {  	_ =	shalt  }
0x60: {  	_ =	shalt  }
0x61: {  	_ =	shalt  }
0x62: {  	_ =	shalt  }
0x63: {  	_ =	shalt  }
0x64: {  	_ =	shalt  }
0x65: {  	_ =	shalt  }
0x66: {  	_ =	shalt  }
0x67: {  	_ =	shalt  }
0x68: {  	_ =	shalt  }
0x69: {  	_ =	shalt  }
0x6a: {  	_ =	shalt  }
0x6b: {  	_ =	shalt  }
0x6c: {  	_ =	shalt  }
0x6d: {  	_ =	shalt  }
0x6e: {  	_ =	shalt  }
0x6f: {  	_ =	shalt  }
0x70: {  	_ =	shalt  }
0x71: {  	_ =	shalt  }
0x72: {  	_ =	shalt  }
0x73: {  	_ =	shalt  }
0x74: {  	_ =	shalt  }
0x75: {  	_ =	shalt  }
0x76: {  	_ =	shalt  }
0x77: {  	_ =	shalt  }
0x78: {  	_ =	shalt  }
0x79: {  	_ =	shalt  }
0x7a: {  	_ =	shalt  }
0x7b: {  	_ =	shalt  }
0x7c: {  	_ =	shalt  }
0x7d: {  	_ =	shalt  }
0x7e: {  	_ =	shalt  }
0x7f: {  	_ =	shalt  }
0x80: {  	_ =	shalt  }
0x81: {  	_ =	shalt  }
0x82: {  	_ =	shalt  }
0x83: {  	_ =	shalt  }
0x84: {  	_ =	shalt  }
0x85: {  	_ =	shalt  }
0x86: {  	_ =	shalt  }
0x87: {  	_ =	shalt  }
.Lfunc_end0:
.L_simem_size_0:
called_computation_lowered:
.L_overlay_start_0:
0x88: {  	s2 =	sld [smem:$0x3FD9]  }
0x89: {  	s3 =	sld [smem:$0x3FFE];
	_ =	sdelay $0x1  }
0x8a: {  	s1 =	srdreg.scid  }
0x8b: {  	s0 =	sand.u32 $0x1, s1  }
0x8c: {  	s17 =	sshll.u32 s0, $0xA;
	s2 =	sadd.s32 s3, s2  }
0x8d: {  	s2 =	sadd.s32 s2, s17  }
0x8e: {  	[smem:$0x3FC2] =	sst s2  }
0x8f: {  	_ = 	snop  }
0x90: {  	s2 =	sld [smem:$0x3FD0];
	(tm) =	ssettm $0x1  }
0x91: {  	s18 =	sld [smem:$0x3FFB];
	_ =	sdelay $0x3  }
0x92: {  	_ =	strace s18  }
0x93: {  	s3 =	sld [smem:$0x3FFC];
	_ =	sdelay $0x3  }
0x94: {  	_ =	strace s3  }
0x95: {  	s3 =	sld [smem:$0x3FFD];
	_ =	sdelay $0x3  }
0x96: {  	_ =	strace s3  }
0x97: {  	_ =	strace $0x8FFFFFFF  }
0x98: {  	s19 =	sld [smem:$0x3FDB];
	_ =	sdelay $0x1  }
0x99: {  	s4 =	simm.s32 $_scs_section_size  }
0x9a: {  	s5 =	simm.s32 $_size__tile_overlayer_lowered;
	s6 =	simm.s32 $_tile_overlayer_lowered  }
0x9b: {  	s22 =	simm.s32 $0x1BFF;
	s21 =	sshll.u32 s6, $0x1;
	s3 =	sadd.s32 s4, s19  }
0x9c: {  	s7 =	simm.s32 $0x0;
	s20 =	sshll.u32 s5, $0x1;
	s5 =	sadd.s32 s21, s3  }
0x9d: {  	[timem:s7], [sflag:s22] =	dma.local [hbm:s5], s20  }
0x9e: {  	_ =	swait.ge [sflag:s22], s20  }
0x9f: {  	s4 =	ssub.s32 $0x0, s20;
	[sflag:s22] =	ssyncset.done $0x0  }
0xa0: {  	[sflag:s22] =	ssyncadd.s32 s4;
	_ =	sdelay $0x1  }
0xa1: {  	s23 =	simm.s32 $0x1B8B  }
0xa2: {  	_ =	swait.ge [sflag:s23], $0x1  }
0xa3: {  	[sflag:s23] =	ssyncset.done $0x0  }
0xa4: {  	s25 =	simm.s32 $0x1B8E;
	s24 =	sld [smem:$0x3FFE];
	[sflag:s23] =	ssyncadd.s32 $0xFFFFFFFF  }
0xa5: {  	s26 =	simm.s32 $execute0_lowered;
	[smem:$0x3FD2] =	sst s25  }
0xa6: {  	s5 =	sshll.u32 s26, $0x1;
	_ =	strace $0x80000046;
	[dreg:$0x1] =	wrdreg $0xFFFFFFFF  }
0xa7: {  	s28 =	simm.s32 $_size_execute0_lowered;
	s3 =	sadd.s32 s3, s5;
	[dreg:$0x0] =	wrdreg $0x0  }
0xa8: {  	s5 =	sshll.u32 s28, $0x1;
	[dreg:$0x2] =	wrdreg s3  }
0xa9: {  	[dreg:$0x3] =	wrdreg s5  }
0xaa: {  	[dreg:$0x4] =	wrdreg $0xC0  }
0xab: {  	_ =	task [dreg:s7], $0x5FFFF  }
0xac: {  	[dreg:$0x1] =	wrdreg $0xFFFFFFFF  }
0xad: {  	[dreg:$0x0] =	wrdreg $0x60  }
0xae: {  	[dreg:$0x2] =	wrdreg s2  }
0xaf: {  	[dreg:$0x3] =	wrdreg s24  }
0xb0: {  	[dreg:$0x4] =	wrdreg $0x82000  }
0xb1: {  	[dreg:$0x5] =	wrdreg $0x9  }
0xb2: {  	_ =	task.clear_ibuf [dreg:s7], $0x6FFFF;
	_ =	strace $0x90000046  }
0xb3: {  	s29 =	simm.s32 $0x9;
	_ =	strace $0x80000048  }
0xb4: {  	_ =	swait.ge [sflag:s29], $0x1  }
0xb5: {  	[sflag:s29] =	ssyncadd.s32 $0xFFFFFFFF  }
0xb6: {  	_ =	strace $0x90000048  }
0xb7: {  	_ =	sfence  }
0xb8: {  	s30 =	sld [smem:$0x0];
	_ =	sdelay $0x2  }
0xb9: {  	s31 =	sshll.u32 s1, $0xD;
	s1 =	sshrl.u32 s1, $0x2  }
0xba: {  	s3 =	sand.u32 $0x4000, s31;
	s1 =	sadd.s32 s1, s30  }
0xbb: {  	s0 =	sor.u32 s3, s0;
	s1 =	sshll.u32 s1, $0x11  }
0xbc: {  	s0 =	sor.u32 s1, s0  }
0xbd: {  	s0 =	sadd.s32 $0x8F2B, s0  }
0xbe: {  	[sflag:s0] =	ssyncadd.remote.s32 $0x1  }
0xbf: {  	_ =	sfence.sel $0xFFFF  }
0xc0: {  	[dreg:$0x0] =	wrdreg $0xFFFFFFFF;
	(pc) =	sbr.abs _section_cstart, $3  }
0xc1: {  	[dreg:$0x1] =	wrdreg $0xFFFFFFFF  }
0xc2: {  	_ =	task.clear_ibuf [dreg:s7], $0x2FFFF;
	_ =	strace $0x9FFFFFFF  }
0xc3: {  	(tm) =	ssettm $0x7FFFFFFF  }
tec
execute0_lowered:
.L_overlay_start_1:
0x0: {  	(tag) =	ssettag $0x1  }
0x1: {  	s13 =	rddreg [dreg:$0x0]  }
0x2: {  	s6 =	rddreg [dreg:$0x1]  }
0x3: {  	s2 =	rddreg [dreg:$0x2];
	s3 =	srdreg.scid  }
0x4: {  	s0 =	rddreg [dreg:$0x3];
	s1 =	stileid.u32;
	s15 =	simm.s32 $0x200  }
0x5: {  	s16 =	simm.s32 $0x5;
	s19 =	simm.s32 $0x1;
	s20 =	simm.s32 $0x2  }
0x6: {  	s21 =	simm.s32 $0x3;
	s22 =	simm.s32 $0x4;
	s23 =	simm.s32 $0x0  }
0x7: {  	s7 =	sand.u32 $0x1, s3;
	s3 =	simm.s32 $0x0;
	s8 =	smul.u32 $0x2800, s1  }
0x8: {  	s29 =	smul.u32 $0x50000, s1;
	s17 =	sshll.u32 s1, $0x6;
	s4 =	sshll.u32 s7, $0x4  }
0x9: {  	[smem:$0x7FF] =	sst s3;
	s9 =	smul.u32 $0x28000, s7;
	s7 =	ssub.s32 $0x2, s7  }
0xa: {  	s17 =	sor.u32 $0x1C05, s17;
	s5 =	sor.u32 s1, s4;
	_ =	strace $0x80000047  }
0xb: {  	s4 =	sadd.s32 $0x3400, s6;
	s31 =	sshrl.u32 s7, $0x1;
	s10 =	smul.u32 $0x2800, s5  }
0xc: {  	s5 =	sadd.s32 $0x4400, s6;
	s11 =	sadd.s32 s8, s9;
	s8 =	sshrl.u32 s29, $0x2  }
0xd: {  	s9 =	sadd.s32 s11, s6;
	s18 =	sadd.s32 s8, s2;
	s12 =	sor.u32 $0x200, s11  }
0xe: {  	s14 =	sor.u32 $0x300, s11;
	s30 =	sshrl.u32 s10, $0x3;
	s10 =	ssub.s32 s7, s31  }
0xf: {  	s8 =	sadd.s32 $0x6C00, s9;
	s12 =	sshrl.u32 s12, $0x3;
	s14 =	sshrl.u32 s14, $0x3  }
0x10: {  	s18 =	sshrl.u32 s18, $0x3;
	s6 =	sadd.s32 s13, s30;
	s9 =	smax.u32 s10, $0x1  }
0x11: {  	s12 =	sadd.s32 s12, s13;
	s13 =	sadd.s32 s14, s13;
	s14 =	simm.s32 $0x100  }
0x12: {  	s7 =	sadd.s32 $0x20, s6;
	s10 =	sadd.s32 $0x4E0, s6;
	s11 =	sadd.s32 $0x4C0, s6  }
.LBB2_1:
0x13: {  	[tilespmem:s3], [sflag:$0x1] =	stream.linear.gather [hbm4b:s6+s3], $0x100, $0x38;
	[tilespmem:$0x1C200] =	vst v63  }
0x14: {  	_ = 	snop  }
0x15: {  	[tilespmem:s14], [sflag:$0x2] =	stream.linear.gather [hbm4b:s7+s3], $0x100, $0x38;
	[tilespmem:$0x1C200] =	vst v63  }
0x16: {  	_ = 	snop  }
0x17: {  	[tilespmem:s15], [sflag:$0x5] =	stream.linear.gather [hbm4b:s4+s3], $0x8000, $0x38;
	[tilespmem:$0x1C200] =	vst v63  }
0x18: {  	_ =	swait.ge [sflag:s16], $0x8000  }
0x19: {  	[sflag:s16] =	ssyncset.done $0x0  }
0x1a: {  	[sflag:s16] =	ssyncadd.s32 $0xFFFF8000  }
0x1b: {  	[spmem:s18], [sflag:s17] =	dma.local [hbm:s5], $0x2800  }
0x1c: {  	_ =	swait.ge [sflag:s16], $0x2800  }
0x1d: {  	[sflag:s16] =	ssyncset.done $0x0  }
0x1e: {  	[sflag:s16] =	ssyncadd.s32 $0xFFFFD800  }
0x1f: {  	[bflag:$0x0] =	sbarrier.arrive $0xFFFF  }
0x20: {  	_ =	swait.ge [sflag:s19], $0x100  }
0x21: {  	[sflag:s19] =	ssyncset.done $0x0  }
0x22: {  	[sflag:s19] =	ssyncadd.s32 $0xFFFFFF00  }
0x23: {  	[spmem:s2] =	stream.indirect.scatter.add.f32 [tilespmem:s15], [sflag:$0x3], $0x80, s3, s14, $0xb8;
	[tilespmem:$0x1C200] =	vst v63  }
0x24: {  	_ =	swait.ge [sflag:s20], $0x100  }
0x25: {  	[sflag:s20] =	ssyncset.done $0x0  }
0x26: {  	[sflag:s20] =	ssyncadd.s32 $0xFFFFFF00  }
0x27: {  	[spmem:s2] =	stream.indirect.scatter.add.f32 [tilespmem:s15], [sflag:$0x4], $0x80, s14, s14, $0xb8;
	[tilespmem:$0x1C200] =	vst v63  }
0x28: {  	_ =	swait.ge [sflag:s21], $0x8000  }
0x29: {  	[sflag:s21] =	ssyncset.done $0x0  }
0x2a: {  	s24 =	sadd.s32 $0x0, s12;
	[sflag:s21] =	ssyncadd.s32 $0xFFFF8000  }
0x2b: {  	[tilespmem:s3], [sflag:$0x1] =	stream.linear.gather [hbm4b:s24+s3], $0x100, $0x38;
	[tilespmem:$0x1C200] =	vst v63  }
0x2c: {  	_ =	swait.ge [sflag:s22], $0x8000  }
0x2d: {  	[sflag:s22] =	ssyncset.done $0x0  }
0x2e: {  	s25 =	sadd.s32 $0x0, s13;
	s24 =	simm.s32 $0x40;
	[sflag:s22] =	ssyncadd.s32 $0xFFFF8000  }
.LBB2_2:
0x2f: {  	[tilespmem:s14], [sflag:$0x2] =	stream.linear.gather [hbm4b:s25+s3], $0x100, $0x38;
	[tilespmem:$0x1C200] =	vst v63  }
0x30: {  	s25 =	smov.u32 s24  }
0x31: {  	p0 =	sne.s32 s24, $0x440;
	s24 =	sadd.s32 $0x40, s24;
	_ =	swait.ge [sflag:s19], $0x100  }
0x32: {  	[sflag:s19] =	ssyncset.done $0x0  }
0x33: {  	[sflag:s19] =	ssyncadd.s32 $0xFFFFFF00  }
0x34: {  	[spmem:s2] =	stream.indirect.scatter.add.f32 [tilespmem:s15], [sflag:$0x3], $0x80, s3, s14, $0xb8;
	[tilespmem:$0x1C200] =	vst v63  }
0x35: {  	_ =	swait.ge [sflag:s20], $0x100  }
0x36: {  	[sflag:s20] =	ssyncset.done $0x0  }
0x37: {  	[sflag:s20] =	ssyncadd.s32 $0xFFFFFF00  }
0x38: {  	[spmem:s2] =	stream.indirect.scatter.add.f32 [tilespmem:s15], [sflag:$0x4], $0x80, s14, s14, $0xb8;
	[tilespmem:$0x1C200] =	vst v63  }
0x39: {  	_ =	swait.ge [sflag:s21], $0x8000  }
0x3a: {  	[sflag:s21] =	ssyncset.done $0x0  }
.Ltmp0:
0x3b: {  	s26 =	sadd.s32 s25, s12;
	[sflag:s21] =	ssyncadd.s32 $0xFFFF8000;
	(pc) =	sbr.rel @p0 .LBB2_2-.Ltmp0, $4  }
0x3c: {  	[tilespmem:s3], [sflag:$0x1] =	stream.linear.gather [hbm4b:s26+s3], $0x100, $0x38;
	[tilespmem:$0x1C200] =	vst v63  }
0x3d: {  	_ =	swait.ge [sflag:s22], $0x8000  }
0x3e: {  	[sflag:s22] =	ssyncset.done $0x0  }
0x3f: {  	s25 =	sadd.s32 s25, s13;
	[sflag:s22] =	ssyncadd.s32 $0xFFFF8000  }
0x40: {  	[tilespmem:s14], [sflag:$0x2] =	stream.linear.gather [hbm4b:s25+s3], $0x100, $0x38;
	[tilespmem:$0x1C200] =	vst v63  }
0x41: {  	_ =	swait.ge [sflag:s19], $0x100  }
0x42: {  	[sflag:s19] =	ssyncset.done $0x0  }
0x43: {  	[sflag:s19] =	ssyncadd.s32 $0xFFFFFF00  }
0x44: {  	[spmem:s2] =	stream.indirect.scatter.add.f32 [tilespmem:s15], [sflag:$0x3], $0x80, s3, s14, $0xb8;
	[tilespmem:$0x1C200] =	vst v63  }
0x45: {  	_ =	swait.ge [sflag:s20], $0x100  }
0x46: {  	[sflag:s20] =	ssyncset.done $0x0  }
0x47: {  	[sflag:s20] =	ssyncadd.s32 $0xFFFFFF00  }
0x48: {  	[spmem:s2] =	stream.indirect.scatter.add.f32 [tilespmem:s15], [sflag:$0x4], $0x80, s14, s14, $0xb8;
	[tilespmem:$0x1C200] =	vst v63  }
0x49: {  	_ =	swait.ge [sflag:s21], $0x8000  }
0x4a: {  	[sflag:s21] =	ssyncset.done $0x0  }
0x4b: {  	[sflag:s21] =	ssyncadd.s32 $0xFFFF8000  }
0x4c: {  	[tilespmem:s3], [sflag:$0x1] =	stream.linear.gather [hbm4b:s11+s3], $0x100, $0x38;
	[tilespmem:$0x1C200] =	vst v63  }
0x4d: {  	_ =	swait.ge [sflag:s22], $0x8000  }
0x4e: {  	[sflag:s22] =	ssyncset.done $0x0  }
0x4f: {  	[sflag:s22] =	ssyncadd.s32 $0xFFFF8000  }
0x50: {  	[tilespmem:s14], [sflag:$0x2] =	stream.linear.gather [hbm4b:s10+s3], $0x100, $0x38;
	[tilespmem:$0x1C200] =	vst v63  }
0x51: {  	_ =	swait.ge [sflag:s19], $0x100  }
0x52: {  	[sflag:s19] =	ssyncset.done $0x0  }
0x53: {  	[sflag:s19] =	ssyncadd.s32 $0xFFFFFF00  }
0x54: {  	[spmem:s2] =	stream.indirect.scatter.add.f32 [tilespmem:s15], [sflag:$0x3], $0x80, s3, s14, $0xb8;
	[tilespmem:$0x1C200] =	vst v63  }
0x55: {  	_ =	swait.ge [sflag:s20], $0x100  }
0x56: {  	[sflag:s20] =	ssyncset.done $0x0  }
0x57: {  	[sflag:s20] =	ssyncadd.s32 $0xFFFFFF00  }
0x58: {  	[spmem:s2] =	stream.indirect.scatter.add.f32 [tilespmem:s15], [sflag:$0x4], $0x80, s14, s14, $0xb8;
	[tilespmem:$0x1C200] =	vst v63  }
0x59: {  	_ =	swait.ge [sflag:s21], $0x8000  }
0x5a: {  	[sflag:s21] =	ssyncset.done $0x0  }
0x5b: {  	[sflag:s21] =	ssyncadd.s32 $0xFFFF8000  }
0x5c: {  	[tilespmem:s3], [sflag:$0x1] =	stream.linear.gather [hbm4b:s10+s3], $0x100, $0x38;
	[tilespmem:$0x1C200] =	vst v63  }
0x5d: {  	_ =	swait.ge [sflag:s22], $0x8000  }
0x5e: {  	[sflag:s22] =	ssyncset.done $0x0  }
0x5f: {  	[sflag:s22] =	ssyncadd.s32 $0xFFFF8000  }
0x60: {  	[tilespmem:s14], [sflag:$0x2] =	stream.linear.gather [hbm4b:s10+s3], $0x100, $0x38;
	[tilespmem:$0x1C200] =	vst v63  }
0x61: {  	_ =	swait.ge [sflag:s19], $0x100  }
0x62: {  	[sflag:s19] =	ssyncset.done $0x0  }
0x63: {  	[sflag:s19] =	ssyncadd.s32 $0xFFFFFF00  }
0x64: {  	_ =	swait.ge [sflag:s20], $0x100  }
0x65: {  	s23 =	sadd.s32 $0x1, s23;
	[sflag:s20] =	ssyncset.done $0x0  }
0x66: {  	p0 =	sne.s32 s23, s9;
	[sflag:s20] =	ssyncadd.s32 $0xFFFFFF00  }
.Ltmp1:
0x67: {  	[bflag:$0x0] =	sbarrier.arrive $0xFFFF;
	(pc) =	sbr.rel @p0 .LBB2_1-.Ltmp1, $4  }
0x68: {  	[hbm:s8], [sflag:s17] =	dma.local [spmem:s18], $0x2800  }
0x69: {  	_ =	swait.ge [sflag:s16], $0x2800  }
0x6a: {  	[sflag:s16] =	ssyncset.done $0x0  }
0x6b: {  	[sflag:s16] =	ssyncadd.s32 $0xFFFFD800  }
0x6c: {  	_ =	sfence.sel $0x180000  }
0x6d: {  	[bflag:$0x0] =	sbarrier.arrive $0xFFFF  }
0x6e: {  	p0 =	sne.s32 s1, $0x0;
	_ =	strace $0x90000047  }
0x6f: {  	s0 =	sadd.s32 @!p0 $0x100000, s0;
	[bflag:$0x2] =	sbarrier.arrive $0xFFFF  }
0x70: {  	[sflag:s0] =	ssyncadd.tile.s32 @!p0 $0x1;
	_ =	shalt  }
.Lfunc_end2:
_tile_overlayer_lowered:
.L_overlay_start_2:
0x71: {  	(tag) =	ssettag $0x2  }
0x72: {  	s0 =	rddreg [dreg:$0x0];
	s2 =	stileid.u32  }
0x73: {  	s1 =	rddreg [dreg:$0x1];
	p0 =	sne.s32 s2, $0x0  }
0x74: {  	s3 =	rddreg [dreg:$0x2];
	[bflag:$0x3] =	sbarrier.arrive $0xFFFF;
	s2 =	simm.s32 @!p0 $0x1C05  }
0x75: {  	[timem:s3], [sflag:s2] =	dma.local @!p0 [hbm:s0], s1  }
0x76: {  	s0 =	simm.s32 @!p0 $0x5  }
0x77: {  	_ =	swait.ge @!p0 [sflag:s0], s1  }
0x78: {  	s1 =	ssub.s32 @!p0 $0x0, s1;
	[sflag:s0] =	ssyncset.done @!p0 $0x0  }
0x79: {  	[sflag:s0] =	ssyncadd.s32 @!p0 s1  }
0x7a: {  	[bflag:$0x3] =	sbarrier.arrive $0xFFFF  }
0x7b: {  	_ =	shalt  }

</sc_bundles>
